<compile_context>
chip_gen: v7x
topology: tpu7x:2x2x1
jax: 0.10.2.dev20260603
libtpu: 0.0.44.dev20260713+nightly
codegen_flags: <defaults>
</compile_context>

<pallas_src>
import functools

import jax
import jax.numpy as jnp
from jax import lax
from jax.experimental import pallas as pl
from jax.experimental.pallas import tpu as pltpu
from jax.experimental.pallas import tpu_sc as plsc

B, P, C = 64, 576, 768
KEEP = 144


BB = 8

import numpy as _np
_TRI01 = (_np.arange(P)[:, None] >= _np.arange(P)[None, :]).astype(_np.int32)


def _rank_body(nrow_ref, ncol_ref, tri_ref, idr_ref, mask_ref, keep_ref):
    g = pl.program_id(0)
    tri01 = tri_ref[...]
    kk = lax.broadcasted_iota(jnp.int32, (KEEP, P), 0)
    ppf = lax.broadcasted_iota(jnp.int32, (KEEP, P), 1).astype(jnp.float32)
    ones_row = jnp.ones((1, P), jnp.float32)
    ones_col = jnp.ones((P, 1), jnp.float32)
    for b in range(BB):
        vc = 2 * lax.bitcast_convert_type(ncol_ref[b], jnp.int32)
        vr = 2 * lax.bitcast_convert_type(nrow_ref[b], jnp.int32)
        beats = ((vc + tri01) <= vr)
        mf = jnp.where(beats, 1.0, 0.0)
        rank = jnp.dot(ones_row, mf)
        ranki = rank.astype(jnp.int32)
        idr_ref[b] = ranki
        mask_ref[b] = (rank >= float(KEEP)).astype(jnp.float32)
        sel = jnp.where(ranki == kk, ppf, 0.0)
        keep = jnp.sum(sel, axis=1, keepdims=True)
        keep_ref[b] = keep.astype(jnp.int32) + P * (BB * g + b)


_rank_call = pl.pallas_call(
    _rank_body,
    grid=(B // BB,),
    in_specs=[
        pl.BlockSpec((BB, 1, P), lambda b: (b, 0, 0)),
        pl.BlockSpec((BB, P, 1), lambda b: (b, 0, 0)),
        pl.BlockSpec((P, P), lambda b: (0, 0)),
    ],
    out_specs=[
        pl.BlockSpec((BB, 1, P), lambda b: (b, 0, 0)),
        pl.BlockSpec((BB, 1, P), lambda b: (b, 0, 0)),
        pl.BlockSpec((BB, KEEP, 1), lambda b: (b, 0, 0)),
    ],
    out_shape=[
        jax.ShapeDtypeStruct((B, 1, P), jnp.int32),
        jax.ShapeDtypeStruct((B, 1, P), jnp.float32),
        jax.ShapeDtypeStruct((B, KEEP, 1), jnp.int32),
    ],
)


@functools.cache
def _gather_call():
    info = plsc.get_sparse_core_info()
    nw = info.num_cores * info.num_subcores
    rows = B * KEEP
    rpw = rows // nw
    ch = 72
    nch = rpw // ch
    mesh = plsc.VectorSubcoreMesh(core_axis_name="c", subcore_axis_name="s")

    @functools.partial(
        pl.kernel,
        mesh=mesh,
        out_type=jax.ShapeDtypeStruct((rows, C), jnp.float32),
        scratch_types=[
            pltpu.VMEM((rpw,), jnp.int32),
            pltpu.VMEM((ch, C), jnp.float32),
            pltpu.VMEM((ch, C), jnp.float32),
            pltpu.SemaphoreType.DMA,
            pltpu.SemaphoreType.DMA,
            pltpu.SemaphoreType.DMA,
            pltpu.SemaphoreType.DMA,
        ],
    )
    def gather_k(x_hbm, idx_hbm, out_hbm, idx_v, buf0, buf1, gs0, gs1, ws0, ws1):
        wid = lax.axis_index("s") * info.num_cores + lax.axis_index("c")
        base = wid * rpw
        pltpu.sync_copy(idx_hbm.at[pl.ds(base, rpw)], idx_v)
        bufs, gsems, wsems = [buf0, buf1], [gs0, gs1], [ws0, ws1]
        gd, wd = [None, None], [None, None]

        def start_gather(c):
            return pltpu.async_copy(
                x_hbm.at[idx_v.at[pl.ds(c * ch, ch)]], bufs[c % 2], gsems[c % 2])

        def start_write(c):
            return pltpu.async_copy(
                bufs[c % 2], out_hbm.at[pl.ds(base + c * ch, ch)], wsems[c % 2])

        gd[0] = start_gather(0)
        for c in range(nch):
            nx = c + 1
            if nx < nch:
                if wd[nx % 2] is not None:
                    wd[nx % 2].wait()
                gd[nx % 2] = start_gather(nx)
            gd[c % 2].wait()
            wd[c % 2] = start_write(c)
        wd[(nch - 1) % 2].wait()
        if nch >= 2:
            wd[(nch - 2) % 2].wait()

    return gather_k


def kernel(x, noise):
    noise_row = noise[:, None, :]
    noise_col = noise[:, :, None]
    idr3, mask3, keep3 = _rank_call(noise_row, noise_col, _TRI01)
    ids_restore = idr3.reshape(B, P)
    mask = mask3.reshape(B, P)
    keep_flat = keep3.reshape(B * KEEP)
    x_flat = x.reshape(B * P, C)
    xm = _gather_call()(x_flat, keep_flat)
    return xm.reshape(B, KEEP, C), mask, ids_restore

# --- scband reference (transcript-rebuilt; emitter-appended) ---
"""Pipeline reference for scband-patch-masking-mae-57964878627165 (READ-ONLY COPY).

The authoritative reference and input builder live on the scoring server;
editing this copy changes nothing except your own understanding.
"""

import jax, jax.numpy as jnp
import numpy as np

MASK_RATIO = 0.75


def setup_inputs(seed: int = 0) -> dict:
    key = jax.random.key(seed)
    k1, k2 = jax.random.split(key)
    x = jax.random.normal(k1, (64, 576, 768), dtype=jnp.float32)
    # noise replaces torch.rand(B, P) used to derive the random shuffle
    noise = jax.random.uniform(k2, (64, 576), dtype=jnp.float32)
    return {"x": x, "noise": noise}


def reference(x, noise):
    # PatchMaskingMAE.forward in training mode, has_cls_tk=False, x_cross=None
    B, P, C = x.shape
    pto_keep = int(P * (1.0 - MASK_RATIO))  # 576 * 0.25 = 144
    ids_shuffle = jnp.argsort(noise, axis=1)          # [B, P]
    ids_restore = jnp.argsort(ids_shuffle, axis=1)    # [B, P]
    ids_keep = ids_shuffle[:, :pto_keep]              # [B, pto_keep]
    # torch.gather(x, 1, ids_keep.unsqueeze(-1).repeat(1,1,C)) == take_along_axis
    x_masked = jnp.take_along_axis(x, ids_keep[:, :, None], axis=1)  # [B, pto_keep, C]
    mask = jnp.ones((B, P), dtype=x.dtype)
    mask = mask.at[:, :pto_keep].set(0.0)
    mask = jnp.take_along_axis(mask, ids_restore, axis=1)  # [B, P]
    return (x_masked, mask, ids_restore)

if __name__ == "__main__":
    import jax
    _d = setup_inputs()
    print(jax.jit(kernel)(*tuple(_d.values())))

</pallas_src>

<mosaic_0001>
#map = affine_map<(d0, d1) -> (0, 0)>
#map1 = affine_map<(d0, d1) -> (0)>
module attributes {stable_mosaic.version = 14 : i64} {
  func.func @gather_k(%arg0: i32, %arg1: i32, %arg2: memref<36864x768xf32, #tpu.memory_space<hbm>>, %arg3: memref<9216xi32, #tpu.memory_space<hbm>>, %arg4: memref<9216x768xf32, #tpu.memory_space<hbm>>, %arg5: memref<288xi32, #tpu.memory_space<vmem>>, %arg6: memref<72x768xf32, #tpu.memory_space<vmem>>, %arg7: memref<72x768xf32, #tpu.memory_space<vmem>>, %arg8: memref<!tpu.dma_semaphore, #tpu.memory_space<semaphore_mem>>, %arg9: memref<!tpu.dma_semaphore, #tpu.memory_space<semaphore_mem>>, %arg10: memref<!tpu.dma_semaphore, #tpu.memory_space<semaphore_mem>>, %arg11: memref<!tpu.dma_semaphore, #tpu.memory_space<semaphore_mem>>) attributes {dimension_semantics = [#tpu.dimension_semantics<core_parallel>, #tpu.dimension_semantics<subcore_parallel>], iteration_bounds = array<i64: 2, 16>, scalar_prefetch = 0 : i64, scratch_operands = 7 : i64, tpu.core_type = #tpu.core_type<sc_vector_subcore>, window_params = [{transform_indices = #map}, {transform_indices = #map1}, {transform_indices = #map}]} {
    %mul3A = arith.constant 2 : i32
    %mul3A_0 = arith.muli %arg1, %mul3A : i32
    %add3A = arith.addi %mul3A_0, %arg0 : i32
    %mul3A_1 = arith.constant 288 : i32
    %mul3A_2 = arith.muli %add3A, %mul3A_1 : i32
    "tpu.region"() ({
      %run_scoped3A = tpu.sem_alloc : memref<!tpu.dma_semaphore, #tpu.memory_space<semaphore_mem>>
      %dma_start3A_81 = tpu.memref_slice %arg3[%mul3A_2] : memref<9216xi32, #tpu.memory_space<hbm>> -> memref<288xi32, #tpu.memory_space<hbm>>
      %dma_start3A_82 = tpu.memref_slice %arg3[%mul3A_2] : memref<9216xi32, #tpu.memory_space<hbm>> -> memref<288xi32, #tpu.memory_space<hbm>>
      tpu.enqueue_dma source(%dma_start3A_82 : memref<288xi32, #tpu.memory_space<hbm>>) target(%arg5 : memref<288xi32, #tpu.memory_space<vmem>>) target_semaphore(%run_scoped3A : memref<!tpu.dma_semaphore, #tpu.memory_space<semaphore_mem>>)
      %dma_wait3A_83 = tpu.memref_slice %arg3[%mul3A_2] : memref<9216xi32, #tpu.memory_space<hbm>> -> memref<288xi32, #tpu.memory_space<hbm>>
      %dma_wait3A_84 = tpu.memref_slice %arg3[%mul3A_2] : memref<9216xi32, #tpu.memory_space<hbm>> -> memref<288xi32, #tpu.memory_space<hbm>>
      tpu.wait_dma2 semaphore(%run_scoped3A : memref<!tpu.dma_semaphore, #tpu.memory_space<semaphore_mem>>) src(%dma_wait3A_84 : memref<288xi32, #tpu.memory_space<hbm>>) dst(%arg5 : memref<288xi32, #tpu.memory_space<vmem>>)
      tpu.yield
    }) : () -> ()
    %dma_start3A = arith.constant 0 : i32
    %dma_start3A_3 = tpu.memref_slice %arg5[%dma_start3A] : memref<288xi32, #tpu.memory_space<vmem>> -> memref<72xi32, #tpu.memory_space<vmem>>
    %dma_start3A_4 = arith.constant 0 : i32
    %dma_start3A_5 = arith.constant 0 : i32
    %dma_start3A_6 = tpu.memref_slice %arg2[%dma_start3A_4, %dma_start3A_5] : memref<36864x768xf32, #tpu.memory_space<hbm>> -> memref<36864x768xf32, #tpu.memory_space<hbm>>
    tpu.enqueue_indirect_dma source(%dma_start3A_6 : memref<36864x768xf32, #tpu.memory_space<hbm>>) target(%arg6 : memref<72x768xf32, #tpu.memory_space<vmem>>) offsets(%dma_start3A_3 : memref<72xi32, #tpu.memory_space<vmem>>) semaphore(%arg8 : memref<!tpu.dma_semaphore, #tpu.memory_space<semaphore_mem>>)
    %dma_start3A_7 = arith.constant 72 : i32
    %dma_start3A_8 = tpu.memref_slice %arg5[%dma_start3A_7] : memref<288xi32, #tpu.memory_space<vmem>> -> memref<72xi32, #tpu.memory_space<vmem>>
    %dma_start3A_9 = arith.constant 0 : i32
    %dma_start3A_10 = arith.constant 0 : i32
    %dma_start3A_11 = tpu.memref_slice %arg2[%dma_start3A_9, %dma_start3A_10] : memref<36864x768xf32, #tpu.memory_space<hbm>> -> memref<36864x768xf32, #tpu.memory_space<hbm>>
    tpu.enqueue_indirect_dma source(%dma_start3A_11 : memref<36864x768xf32, #tpu.memory_space<hbm>>) target(%arg7 : memref<72x768xf32, #tpu.memory_space<vmem>>) offsets(%dma_start3A_8 : memref<72xi32, #tpu.memory_space<vmem>>) semaphore(%arg9 : memref<!tpu.dma_semaphore, #tpu.memory_space<semaphore_mem>>)
    %dma_wait3A = arith.constant 0 : i32
    %dma_wait3A_12 = tpu.memref_slice %arg5[%dma_wait3A] : memref<288xi32, #tpu.memory_space<vmem>> -> memref<72xi32, #tpu.memory_space<vmem>>
    %dma_wait3A_13 = arith.constant 0 : i32
    %dma_wait3A_14 = arith.constant 0 : i32
    %dma_wait3A_15 = tpu.memref_slice %arg2[%dma_wait3A_13, %dma_wait3A_14] : memref<36864x768xf32, #tpu.memory_space<hbm>> -> memref<36864x768xf32, #tpu.memory_space<hbm>>
    tpu.wait_indirect_dma semaphore(%arg8 : memref<!tpu.dma_semaphore, #tpu.memory_space<semaphore_mem>>) src(%dma_wait3A_15 : memref<36864x768xf32, #tpu.memory_space<hbm>>) dst(%arg6 : memref<72x768xf32, #tpu.memory_space<vmem>>)
    %add3A_16 = arith.constant 0 : i32
    %add3A_17 = arith.addi %mul3A_2, %add3A_16 : i32
    %dma_start3A_18 = arith.constant 0 : i32
    %dma_start3A_19 = tpu.memref_slice %arg4[%add3A_17, %dma_start3A_18] : memref<9216x768xf32, #tpu.memory_space<hbm>> -> memref<72x768xf32, #tpu.memory_space<hbm>>
    %dma_start3A_20 = arith.constant 0 : i32
    %dma_start3A_21 = tpu.memref_slice %arg4[%add3A_17, %dma_start3A_20] : memref<9216x768xf32, #tpu.memory_space<hbm>> -> memref<72x768xf32, #tpu.memory_space<hbm>>
    tpu.enqueue_dma source(%arg6 : memref<72x768xf32, #tpu.memory_space<vmem>>) target(%dma_start3A_21 : memref<72x768xf32, #tpu.memory_space<hbm>>) target_semaphore(%arg10 : memref<!tpu.dma_semaphore, #tpu.memory_space<semaphore_mem>>)
    %dma_wait3A_22 = arith.constant 0 : i32
    %dma_wait3A_23 = tpu.memref_slice %arg4[%add3A_17, %dma_wait3A_22] : memref<9216x768xf32, #tpu.memory_space<hbm>> -> memref<72x768xf32, #tpu.memory_space<hbm>>
    %dma_wait3A_24 = arith.constant 0 : i32
    %dma_wait3A_25 = tpu.memref_slice %arg4[%add3A_17, %dma_wait3A_24] : memref<9216x768xf32, #tpu.memory_space<hbm>> -> memref<72x768xf32, #tpu.memory_space<hbm>>
    tpu.wait_dma2 semaphore(%arg10 : memref<!tpu.dma_semaphore, #tpu.memory_space<semaphore_mem>>) src(%arg6 : memref<72x768xf32, #tpu.memory_space<vmem>>) dst(%dma_wait3A_25 : memref<72x768xf32, #tpu.memory_space<hbm>>)
    %dma_start3A_26 = arith.constant 144 : i32
    %dma_start3A_27 = tpu.memref_slice %arg5[%dma_start3A_26] : memref<288xi32, #tpu.memory_space<vmem>> -> memref<72xi32, #tpu.memory_space<vmem>>
    %dma_start3A_28 = arith.constant 0 : i32
    %dma_start3A_29 = arith.constant 0 : i32
    %dma_start3A_30 = tpu.memref_slice %arg2[%dma_start3A_28, %dma_start3A_29] : memref<36864x768xf32, #tpu.memory_space<hbm>> -> memref<36864x768xf32, #tpu.memory_space<hbm>>
    tpu.enqueue_indirect_dma source(%dma_start3A_30 : memref<36864x768xf32, #tpu.memory_space<hbm>>) target(%arg6 : memref<72x768xf32, #tpu.memory_space<vmem>>) offsets(%dma_start3A_27 : memref<72xi32, #tpu.memory_space<vmem>>) semaphore(%arg8 : memref<!tpu.dma_semaphore, #tpu.memory_space<semaphore_mem>>)
    %dma_wait3A_31 = arith.constant 72 : i32
    %dma_wait3A_32 = tpu.memref_slice %arg5[%dma_wait3A_31] : memref<288xi32, #tpu.memory_space<vmem>> -> memref<72xi32, #tpu.memory_space<vmem>>
    %dma_wait3A_33 = arith.constant 0 : i32
    %dma_wait3A_34 = arith.constant 0 : i32
    %dma_wait3A_35 = tpu.memref_slice %arg2[%dma_wait3A_33, %dma_wait3A_34] : memref<36864x768xf32, #tpu.memory_space<hbm>> -> memref<36864x768xf32, #tpu.memory_space<hbm>>
    tpu.wait_indirect_dma semaphore(%arg9 : memref<!tpu.dma_semaphore, #tpu.memory_space<semaphore_mem>>) src(%dma_wait3A_35 : memref<36864x768xf32, #tpu.memory_space<hbm>>) dst(%arg7 : memref<72x768xf32, #tpu.memory_space<vmem>>)
    %add3A_36 = arith.constant 72 : i32
    %add3A_37 = arith.addi %mul3A_2, %add3A_36 : i32
    %dma_start3A_38 = arith.constant 0 : i32
    %dma_start3A_39 = tpu.memref_slice %arg4[%add3A_37, %dma_start3A_38] : memref<9216x768xf32, #tpu.memory_space<hbm>> -> memref<72x768xf32, #tpu.memory_space<hbm>>
    %dma_start3A_40 = arith.constant 0 : i32
    %dma_start3A_41 = tpu.memref_slice %arg4[%add3A_37, %dma_start3A_40] : memref<9216x768xf32, #tpu.memory_space<hbm>> -> memref<72x768xf32, #tpu.memory_space<hbm>>
    tpu.enqueue_dma source(%arg7 : memref<72x768xf32, #tpu.memory_space<vmem>>) target(%dma_start3A_41 : memref<72x768xf32, #tpu.memory_space<hbm>>) target_semaphore(%arg11 : memref<!tpu.dma_semaphore, #tpu.memory_space<semaphore_mem>>)
    %dma_wait3A_42 = arith.constant 0 : i32
    %dma_wait3A_43 = tpu.memref_slice %arg4[%add3A_37, %dma_wait3A_42] : memref<9216x768xf32, #tpu.memory_space<hbm>> -> memref<72x768xf32, #tpu.memory_space<hbm>>
    %dma_wait3A_44 = arith.constant 0 : i32
    %dma_wait3A_45 = tpu.memref_slice %arg4[%add3A_37, %dma_wait3A_44] : memref<9216x768xf32, #tpu.memory_space<hbm>> -> memref<72x768xf32, #tpu.memory_space<hbm>>
    tpu.wait_dma2 semaphore(%arg11 : memref<!tpu.dma_semaphore, #tpu.memory_space<semaphore_mem>>) src(%arg7 : memref<72x768xf32, #tpu.memory_space<vmem>>) dst(%dma_wait3A_45 : memref<72x768xf32, #tpu.memory_space<hbm>>)
    %dma_start3A_46 = arith.constant 216 : i32
    %dma_start3A_47 = tpu.memref_slice %arg5[%dma_start3A_46] : memref<288xi32, #tpu.memory_space<vmem>> -> memref<72xi32, #tpu.memory_space<vmem>>
    %dma_start3A_48 = arith.constant 0 : i32
    %dma_start3A_49 = arith.constant 0 : i32
    %dma_start3A_50 = tpu.memref_slice %arg2[%dma_start3A_48, %dma_start3A_49] : memref<36864x768xf32, #tpu.memory_space<hbm>> -> memref<36864x768xf32, #tpu.memory_space<hbm>>
    tpu.enqueue_indirect_dma source(%dma_start3A_50 : memref<36864x768xf32, #tpu.memory_space<hbm>>) target(%arg7 : memref<72x768xf32, #tpu.memory_space<vmem>>) offsets(%dma_start3A_47 : memref<72xi32, #tpu.memory_space<vmem>>) semaphore(%arg9 : memref<!tpu.dma_semaphore, #tpu.memory_space<semaphore_mem>>)
    %dma_wait3A_51 = arith.constant 144 : i32
    %dma_wait3A_52 = tpu.memref_slice %arg5[%dma_wait3A_51] : memref<288xi32, #tpu.memory_space<vmem>> -> memref<72xi32, #tpu.memory_space<vmem>>
    %dma_wait3A_53 = arith.constant 0 : i32
    %dma_wait3A_54 = arith.constant 0 : i32
    %dma_wait3A_55 = tpu.memref_slice %arg2[%dma_wait3A_53, %dma_wait3A_54] : memref<36864x768xf32, #tpu.memory_space<hbm>> -> memref<36864x768xf32, #tpu.memory_space<hbm>>
    tpu.wait_indirect_dma semaphore(%arg8 : memref<!tpu.dma_semaphore, #tpu.memory_space<semaphore_mem>>) src(%dma_wait3A_55 : memref<36864x768xf32, #tpu.memory_space<hbm>>) dst(%arg6 : memref<72x768xf32, #tpu.memory_space<vmem>>)
    %add3A_56 = arith.constant 144 : i32
    %add3A_57 = arith.addi %mul3A_2, %add3A_56 : i32
    %dma_start3A_58 = arith.constant 0 : i32
    %dma_start3A_59 = tpu.memref_slice %arg4[%add3A_57, %dma_start3A_58] : memref<9216x768xf32, #tpu.memory_space<hbm>> -> memref<72x768xf32, #tpu.memory_space<hbm>>
    %dma_start3A_60 = arith.constant 0 : i32
    %dma_start3A_61 = tpu.memref_slice %arg4[%add3A_57, %dma_start3A_60] : memref<9216x768xf32, #tpu.memory_space<hbm>> -> memref<72x768xf32, #tpu.memory_space<hbm>>
    tpu.enqueue_dma source(%arg6 : memref<72x768xf32, #tpu.memory_space<vmem>>) target(%dma_start3A_61 : memref<72x768xf32, #tpu.memory_space<hbm>>) target_semaphore(%arg10 : memref<!tpu.dma_semaphore, #tpu.memory_space<semaphore_mem>>)
    %dma_wait3A_62 = arith.constant 216 : i32
    %dma_wait3A_63 = tpu.memref_slice %arg5[%dma_wait3A_62] : memref<288xi32, #tpu.memory_space<vmem>> -> memref<72xi32, #tpu.memory_space<vmem>>
    %dma_wait3A_64 = arith.constant 0 : i32
    %dma_wait3A_65 = arith.constant 0 : i32
    %dma_wait3A_66 = tpu.memref_slice %arg2[%dma_wait3A_64, %dma_wait3A_65] : memref<36864x768xf32, #tpu.memory_space<hbm>> -> memref<36864x768xf32, #tpu.memory_space<hbm>>
    tpu.wait_indirect_dma semaphore(%arg9 : memref<!tpu.dma_semaphore, #tpu.memory_space<semaphore_mem>>) src(%dma_wait3A_66 : memref<36864x768xf32, #tpu.memory_space<hbm>>) dst(%arg7 : memref<72x768xf32, #tpu.memory_space<vmem>>)
    %add3A_67 = arith.constant 216 : i32
    %add3A_68 = arith.addi %mul3A_2, %add3A_67 : i32
    %dma_start3A_69 = arith.constant 0 : i32
    %dma_start3A_70 = tpu.memref_slice %arg4[%add3A_68, %dma_start3A_69] : memref<9216x768xf32, #tpu.memory_space<hbm>> -> memref<72x768xf32, #tpu.memory_space<hbm>>
    %dma_start3A_71 = arith.constant 0 : i32
    %dma_start3A_72 = tpu.memref_slice %arg4[%add3A_68, %dma_start3A_71] : memref<9216x768xf32, #tpu.memory_space<hbm>> -> memref<72x768xf32, #tpu.memory_space<hbm>>
    tpu.enqueue_dma source(%arg7 : memref<72x768xf32, #tpu.memory_space<vmem>>) target(%dma_start3A_72 : memref<72x768xf32, #tpu.memory_space<hbm>>) target_semaphore(%arg11 : memref<!tpu.dma_semaphore, #tpu.memory_space<semaphore_mem>>)
    %dma_wait3A_73 = arith.constant 0 : i32
    %dma_wait3A_74 = tpu.memref_slice %arg4[%add3A_68, %dma_wait3A_73] : memref<9216x768xf32, #tpu.memory_space<hbm>> -> memref<72x768xf32, #tpu.memory_space<hbm>>
    %dma_wait3A_75 = arith.constant 0 : i32
    %dma_wait3A_76 = tpu.memref_slice %arg4[%add3A_68, %dma_wait3A_75] : memref<9216x768xf32, #tpu.memory_space<hbm>> -> memref<72x768xf32, #tpu.memory_space<hbm>>
    tpu.wait_dma2 semaphore(%arg11 : memref<!tpu.dma_semaphore, #tpu.memory_space<semaphore_mem>>) src(%arg7 : memref<72x768xf32, #tpu.memory_space<vmem>>) dst(%dma_wait3A_76 : memref<72x768xf32, #tpu.memory_space<hbm>>)
    %dma_wait3A_77 = arith.constant 0 : i32
    %dma_wait3A_78 = tpu.memref_slice %arg4[%add3A_57, %dma_wait3A_77] : memref<9216x768xf32, #tpu.memory_space<hbm>> -> memref<72x768xf32, #tpu.memory_space<hbm>>
    %dma_wait3A_79 = arith.constant 0 : i32
    %dma_wait3A_80 = tpu.memref_slice %arg4[%add3A_57, %dma_wait3A_79] : memref<9216x768xf32, #tpu.memory_space<hbm>> -> memref<72x768xf32, #tpu.memory_space<hbm>>
    tpu.wait_dma2 semaphore(%arg10 : memref<!tpu.dma_semaphore, #tpu.memory_space<semaphore_mem>>) src(%arg6 : memref<72x768xf32, #tpu.memory_space<vmem>>) dst(%dma_wait3A_80 : memref<72x768xf32, #tpu.memory_space<hbm>>)
    return
  }
}

module attributes {stable_mosaic.version = 14 : i64} {
  func.func @_rank_body(%arg0: i32, %arg1: memref<8x1x576xf32, #tpu.memory_space<vmem>>, %arg2: memref<8x576x1xf32, #tpu.memory_space<vmem>>, %arg3: memref<576x576xi32, #tpu.memory_space<vmem>>, %arg4: memref<8x1x576xi32, #tpu.memory_space<vmem>>, %arg5: memref<8x1x576xf32, #tpu.memory_space<vmem>>, %arg6: memref<8x144x1xi32, #tpu.memory_space<vmem>>) attributes {dimension_semantics = [#tpu.dimension_semantics<arbitrary>], iteration_bounds = array<i64: 8>, scalar_prefetch = 0 : i64, scratch_operands = 0 : i64, tpu.core_type = #tpu.core_type<tc>, window_params = [{transform_indices = @transform_0, window_bounds = array<i64: 8, 1, 576>}, {transform_indices = @transform_1, window_bounds = array<i64: 8, 576, 1>}, {pipeline_mode = #tpu.pipeline_mode<synchronous>, transform_indices = @transform_2, window_bounds = array<i64: 576, 576>}, {transform_indices = @transform_3, window_bounds = array<i64: 8, 1, 576>}, {transform_indices = @transform_4, window_bounds = array<i64: 8, 1, 576>}, {transform_indices = @transform_5, window_bounds = array<i64: 8, 144, 1>}]} {
    %get3A = arith.constant 0 : index
    %get3A_0 = arith.constant 0 : index
    %get3A_1 = vector.load %arg3[%get3A, %get3A_0] : memref<576x576xi32, #tpu.memory_space<vmem>>, vector<576x576xi32>
    %iota3A = tpu.iota {dimensions = array<i32: 0>} : vector<144x576xi32>
    %iota3A_2 = tpu.iota {dimensions = array<i32: 1>} : vector<144x576xi32>
    %convert_element_type3A = arith.sitofp %iota3A_2 : vector<144x576xi32> to vector<144x576xf32>
    %broadcast_in_dim3A = arith.constant 1.000000e+00 : f32
    %broadcast_in_dim3A_3 = vector.broadcast %broadcast_in_dim3A : f32 to vector<1x576xf32>
    %get3A_4 = arith.constant 0 : index
    %get3A_5 = arith.constant 0 : index
    %get3A_6 = arith.constant 0 : index
    %get3A_7 = vector.load %arg2[%get3A_4, %get3A_5, %get3A_6] : memref<8x576x1xf32, #tpu.memory_space<vmem>>, vector<1x576x1xf32>
    %get3A_8 = vector.shape_cast %get3A_7 : vector<1x576x1xf32> to vector<576x1xf32>
    %bitcast_convert_type3A = tpu.bitcast %get3A_8 : vector<576x1xf32> -> vector<576x1xi32>
    %mul3A = arith.constant 2 : i32
    %mul3A_9 = vector.broadcast %mul3A : i32 to vector<576x1xi32>
    %mul3A_10 = arith.muli %mul3A_9, %bitcast_convert_type3A : vector<576x1xi32>
    %get3A_11 = arith.constant 0 : index
    %get3A_12 = arith.constant 0 : index
    %get3A_13 = arith.constant 0 : index
    %get3A_14 = vector.load %arg1[%get3A_11, %get3A_12, %get3A_13] : memref<8x1x576xf32, #tpu.memory_space<vmem>>, vector<1x1x576xf32>
    %get3A_15 = vector.shape_cast %get3A_14 : vector<1x1x576xf32> to vector<1x576xf32>
    %bitcast_convert_type3A_16 = tpu.bitcast %get3A_15 : vector<1x576xf32> -> vector<1x576xi32>
    %mul3A_17 = arith.constant 2 : i32
    %mul3A_18 = vector.broadcast %mul3A_17 : i32 to vector<1x576xi32>
    %mul3A_19 = arith.muli %mul3A_18, %bitcast_convert_type3A_16 : vector<1x576xi32>
    %add3A = vector.broadcast %mul3A_10 : vector<576x1xi32> to vector<576x576xi32>
    %add3A_20 = arith.addi %add3A, %get3A_1 : vector<576x576xi32>
    %le3A = vector.broadcast %mul3A_19 : vector<1x576xi32> to vector<576x576xi32>
    %le3A_21 = arith.cmpi sle, %add3A_20, %le3A : vector<576x576xi32>
    %jit3A = arith.constant 1.000000e+00 : f32
    %jit3A_22 = arith.constant 0.000000e+00 : f32
    %broadcast_in_dim3A_23 = vector.broadcast %jit3A : f32 to vector<576x576xf32>
    %broadcast_in_dim3A_24 = vector.broadcast %jit3A_22 : f32 to vector<576x576xf32>
    %select_n3A = arith.select %le3A_21, %broadcast_in_dim3A_23, %broadcast_in_dim3A_24 : vector<576x576xi1>, vector<576x576xf32>
    %dot_general3A = arith.constant dense<0.000000e+00> : vector<1x576xf32>
    %dot_general3A_25 = tpu.matmul %broadcast_in_dim3A_3, %select_n3A, %dot_general3A {dimension_numbers = #tpu.dot_dimension_numbers<[1], [0], [0], [1], [0, 0, 1, 1], [], []>, transpose_lhs_hint = false} : vector<1x576xf32>, vector<576x576xf32>, vector<1x576xf32> -> vector<1x576xf32>
    %convert_element_type3A_26 = arith.fptosi %dot_general3A_25 : vector<1x576xf32> to vector<1x576xi32>
    %swap3A = arith.constant 0 : index
    %swap3A_27 = arith.constant 0 : index
    %swap3A_28 = arith.constant 0 : index
    %swap3A_29 = vector.load %arg4[%swap3A, %swap3A_27, %swap3A_28] : memref<8x1x576xi32, #tpu.memory_space<vmem>>, vector<1x1x576xi32>
    %swap3A_30 = vector.shape_cast %swap3A_29 : vector<1x1x576xi32> to vector<1x576xi32>
    %swap3A_31 = vector.shape_cast %convert_element_type3A_26 : vector<1x576xi32> to vector<1x1x576xi32>
    tpu.vector_store %arg4[%swap3A, %swap3A_27, %swap3A_28], %swap3A_31 {strides = array<i32>} : memref<8x1x576xi32, #tpu.memory_space<vmem>>, vector<1x1x576xi32>,
    %ge3A = arith.constant 1.440000e+02 : f32
    %ge3A_32 = vector.broadcast %ge3A : f32 to vector<1x576xf32>
    %ge3A_33 = arith.cmpf oge, %dot_general3A_25, %ge3A_32 : vector<1x576xf32>
    %convert_element_type3A_34 = arith.extui %ge3A_33 : vector<1x576xi1> to vector<1x576xi32>
    %convert_element_type3A_35 = arith.sitofp %convert_element_type3A_34 : vector<1x576xi32> to vector<1x576xf32>
    %swap3A_36 = arith.constant 0 : index
    %swap3A_37 = arith.constant 0 : index
    %swap3A_38 = arith.constant 0 : index
    %swap3A_39 = vector.load %arg5[%swap3A_36, %swap3A_37, %swap3A_38] : memref<8x1x576xf32, #tpu.memory_space<vmem>>, vector<1x1x576xf32>
    %swap3A_40 = vector.shape_cast %swap3A_39 : vector<1x1x576xf32> to vector<1x576xf32>
    %swap3A_41 = vector.shape_cast %convert_element_type3A_35 : vector<1x576xf32> to vector<1x1x576xf32>
    tpu.vector_store %arg5[%swap3A_36, %swap3A_37, %swap3A_38], %swap3A_41 {strides = array<i32>} : memref<8x1x576xf32, #tpu.memory_space<vmem>>, vector<1x1x576xf32>,
    %eq3A = vector.broadcast %convert_element_type3A_26 : vector<1x576xi32> to vector<144x576xi32>
    %eq3A_42 = arith.cmpi eq, %eq3A, %iota3A : vector<144x576xi32>
    %jit3A_43 = arith.constant 0.000000e+00 : f32
    %broadcast_in_dim3A_44 = vector.broadcast %jit3A_43 : f32 to vector<144x576xf32>
    %select_n3A_45 = arith.select %eq3A_42, %convert_element_type3A, %broadcast_in_dim3A_44 : vector<144x576xi1>, vector<144x576xf32>
    %reduce_sum3A = arith.constant dense<0.000000e+00> : vector<144xf32>
    %reduce_sum3A_46 = vector.multi_reduction <add>, %select_n3A_45, %reduce_sum3A [1] : vector<144x576xf32> to vector<144xf32>
    %broadcast_in_dim3A_47 = vector.shape_cast %reduce_sum3A_46 : vector<144xf32> to vector<144x1xf32>
    %convert_element_type3A_48 = arith.fptosi %broadcast_in_dim3A_47 : vector<144x1xf32> to vector<144x1xi32>
    %mul3A_49 = arith.constant 8 : i32
    %mul3A_50 = arith.muli %mul3A_49, %arg0 : i32
    %add3A_51 = arith.constant 0 : i32
    %add3A_52 = arith.addi %mul3A_50, %add3A_51 : i32
    %mul3A_53 = arith.constant 576 : i32
    %mul3A_54 = arith.muli %mul3A_53, %add3A_52 : i32
    %add3A_55 = vector.broadcast %mul3A_54 : i32 to vector<144x1xi32>
    %add3A_56 = arith.addi %convert_element_type3A_48, %add3A_55 : vector<144x1xi32>
    %swap3A_57 = arith.constant 0 : index
    %swap3A_58 = arith.constant 0 : index
    %swap3A_59 = arith.constant 0 : index
    %swap3A_60 = vector.load %arg6[%swap3A_57, %swap3A_58, %swap3A_59] : memref<8x144x1xi32, #tpu.memory_space<vmem>>, vector<1x144x1xi32>
    %swap3A_61 = vector.shape_cast %swap3A_60 : vector<1x144x1xi32> to vector<144x1xi32>
    %swap3A_62 = vector.shape_cast %add3A_56 : vector<144x1xi32> to vector<1x144x1xi32>
    tpu.vector_store %arg6[%swap3A_57, %swap3A_58, %swap3A_59], %swap3A_62 {strides = array<i32>} : memref<8x144x1xi32, #tpu.memory_space<vmem>>, vector<1x144x1xi32>,
    %get3A_63 = arith.constant 1 : index
    %get3A_64 = arith.constant 0 : index
    %get3A_65 = arith.constant 0 : index
    %get3A_66 = vector.load %arg2[%get3A_63, %get3A_64, %get3A_65] : memref<8x576x1xf32, #tpu.memory_space<vmem>>, vector<1x576x1xf32>
    %get3A_67 = vector.shape_cast %get3A_66 : vector<1x576x1xf32> to vector<576x1xf32>
    %bitcast_convert_type3A_68 = tpu.bitcast %get3A_67 : vector<576x1xf32> -> vector<576x1xi32>
    %mul3A_69 = arith.constant 2 : i32
    %mul3A_70 = vector.broadcast %mul3A_69 : i32 to vector<576x1xi32>
    %mul3A_71 = arith.muli %mul3A_70, %bitcast_convert_type3A_68 : vector<576x1xi32>
    %get3A_72 = arith.constant 1 : index
    %get3A_73 = arith.constant 0 : index
    %get3A_74 = arith.constant 0 : index
    %get3A_75 = vector.load %arg1[%get3A_72, %get3A_73, %get3A_74] : memref<8x1x576xf32, #tpu.memory_space<vmem>>, vector<1x1x576xf32>
    %get3A_76 = vector.shape_cast %get3A_75 : vector<1x1x576xf32> to vector<1x576xf32>
    %bitcast_convert_type3A_77 = tpu.bitcast %get3A_76 : vector<1x576xf32> -> vector<1x576xi32>
    %mul3A_78 = arith.constant 2 : i32
    %mul3A_79 = vector.broadcast %mul3A_78 : i32 to vector<1x576xi32>
    %mul3A_80 = arith.muli %mul3A_79, %bitcast_convert_type3A_77 : vector<1x576xi32>
    %add3A_81 = vector.broadcast %mul3A_71 : vector<576x1xi32> to vector<576x576xi32>
    %add3A_82 = arith.addi %add3A_81, %get3A_1 : vector<576x576xi32>
    %le3A_83 = vector.broadcast %mul3A_80 : vector<1x576xi32> to vector<576x576xi32>
    %le3A_84 = arith.cmpi sle, %add3A_82, %le3A_83 : vector<576x576xi32>
    %jit3A_85 = arith.constant 1.000000e+00 : f32
    %jit3A_86 = arith.constant 0.000000e+00 : f32
    %broadcast_in_dim3A_87 = vector.broadcast %jit3A_85 : f32 to vector<576x576xf32>
    %broadcast_in_dim3A_88 = vector.broadcast %jit3A_86 : f32 to vector<576x576xf32>
    %select_n3A_89 = arith.select %le3A_84, %broadcast_in_dim3A_87, %broadcast_in_dim3A_88 : vector<576x576xi1>, vector<576x576xf32>
    %dot_general3A_90 = arith.constant dense<0.000000e+00> : vector<1x576xf32>
    %dot_general3A_91 = tpu.matmul %broadcast_in_dim3A_3, %select_n3A_89, %dot_general3A_90 {dimension_numbers = #tpu.dot_dimension_numbers<[1], [0], [0], [1], [0, 0, 1, 1], [], []>, transpose_lhs_hint = false} : vector<1x576xf32>, vector<576x576xf32>, vector<1x576xf32> -> vector<1x576xf32>
    %convert_element_type3A_92 = arith.fptosi %dot_general3A_91 : vector<1x576xf32> to vector<1x576xi32>
    %swap3A_93 = arith.constant 1 : index
    %swap3A_94 = arith.constant 0 : index
    %swap3A_95 = arith.constant 0 : index
    %swap3A_96 = vector.load %arg4[%swap3A_93, %swap3A_94, %swap3A_95] : memref<8x1x576xi32, #tpu.memory_space<vmem>>, vector<1x1x576xi32>
    %swap3A_97 = vector.shape_cast %swap3A_96 : vector<1x1x576xi32> to vector<1x576xi32>
    %swap3A_98 = vector.shape_cast %convert_element_type3A_92 : vector<1x576xi32> to vector<1x1x576xi32>
    tpu.vector_store %arg4[%swap3A_93, %swap3A_94, %swap3A_95], %swap3A_98 {strides = array<i32>} : memref<8x1x576xi32, #tpu.memory_space<vmem>>, vector<1x1x576xi32>,
    %ge3A_99 = arith.constant 1.440000e+02 : f32
    %ge3A_100 = vector.broadcast %ge3A_99 : f32 to vector<1x576xf32>
    %ge3A_101 = arith.cmpf oge, %dot_general3A_91, %ge3A_100 : vector<1x576xf32>
    %convert_element_type3A_102 = arith.extui %ge3A_101 : vector<1x576xi1> to vector<1x576xi32>
    %convert_element_type3A_103 = arith.sitofp %convert_element_type3A_102 : vector<1x576xi32> to vector<1x576xf32>
    %swap3A_104 = arith.constant 1 : index
    %swap3A_105 = arith.constant 0 : index
    %swap3A_106 = arith.constant 0 : index
    %swap3A_107 = vector.load %arg5[%swap3A_104, %swap3A_105, %swap3A_106] : memref<8x1x576xf32, #tpu.memory_space<vmem>>, vector<1x1x576xf32>
    %swap3A_108 = vector.shape_cast %swap3A_107 : vector<1x1x576xf32> to vector<1x576xf32>
    %swap3A_109 = vector.shape_cast %convert_element_type3A_103 : vector<1x576xf32> to vector<1x1x576xf32>
    tpu.vector_store %arg5[%swap3A_104, %swap3A_105, %swap3A_106], %swap3A_109 {strides = array<i32>} : memref<8x1x576xf32, #tpu.memory_space<vmem>>, vector<1x1x576xf32>,
    %eq3A_110 = vector.broadcast %convert_element_type3A_92 : vector<1x576xi32> to vector<144x576xi32>
    %eq3A_111 = arith.cmpi eq, %eq3A_110, %iota3A : vector<144x576xi32>
    %jit3A_112 = arith.constant 0.000000e+00 : f32
    %broadcast_in_dim3A_113 = vector.broadcast %jit3A_112 : f32 to vector<144x576xf32>
    %select_n3A_114 = arith.select %eq3A_111, %convert_element_type3A, %broadcast_in_dim3A_113 : vector<144x576xi1>, vector<144x576xf32>
    %reduce_sum3A_115 = arith.constant dense<0.000000e+00> : vector<144xf32>
    %reduce_sum3A_116 = vector.multi_reduction <add>, %select_n3A_114, %reduce_sum3A_115 [1] : vector<144x576xf32> to vector<144xf32>
    %broadcast_in_dim3A_117 = vector.shape_cast %reduce_sum3A_116 : vector<144xf32> to vector<144x1xf32>
    %convert_element_type3A_118 = arith.fptosi %broadcast_in_dim3A_117 : vector<144x1xf32> to vector<144x1xi32>
    %mul3A_119 = arith.constant 8 : i32
    %mul3A_120 = arith.muli %mul3A_119, %arg0 : i32
    %add3A_121 = arith.constant 1 : i32
    %add3A_122 = arith.addi %mul3A_120, %add3A_121 : i32
    %mul3A_123 = arith.constant 576 : i32
    %mul3A_124 = arith.muli %mul3A_123, %add3A_122 : i32
    %add3A_125 = vector.broadcast %mul3A_124 : i32 to vector<144x1xi32>
    %add3A_126 = arith.addi %convert_element_type3A_118, %add3A_125 : vector<144x1xi32>
    %swap3A_127 = arith.constant 1 : index
    %swap3A_128 = arith.constant 0 : index
    %swap3A_129 = arith.constant 0 : index
    %swap3A_130 = vector.load %arg6[%swap3A_127, %swap3A_128, %swap3A_129] : memref<8x144x1xi32, #tpu.memory_space<vmem>>, vector<1x144x1xi32>
    %swap3A_131 = vector.shape_cast %swap3A_130 : vector<1x144x1xi32> to vector<144x1xi32>
    %swap3A_132 = vector.shape_cast %add3A_126 : vector<144x1xi32> to vector<1x144x1xi32>
    tpu.vector_store %arg6[%swap3A_127, %swap3A_128, %swap3A_129], %swap3A_132 {strides = array<i32>} : memref<8x144x1xi32, #tpu.memory_space<vmem>>, vector<1x144x1xi32>,
    %get3A_133 = arith.constant 2 : index
    %get3A_134 = arith.constant 0 : index
    %get3A_135 = arith.constant 0 : index
    %get3A_136 = vector.load %arg2[%get3A_133, %get3A_134, %get3A_135] : memref<8x576x1xf32, #tpu.memory_space<vmem>>, vector<1x576x1xf32>
    %get3A_137 = vector.shape_cast %get3A_136 : vector<1x576x1xf32> to vector<576x1xf32>
    %bitcast_convert_type3A_138 = tpu.bitcast %get3A_137 : vector<576x1xf32> -> vector<576x1xi32>
    %mul3A_139 = arith.constant 2 : i32
    %mul3A_140 = vector.broadcast %mul3A_139 : i32 to vector<576x1xi32>
    %mul3A_141 = arith.muli %mul3A_140, %bitcast_convert_type3A_138 : vector<576x1xi32>
    %get3A_142 = arith.constant 2 : index
    %get3A_143 = arith.constant 0 : index
    %get3A_144 = arith.constant 0 : index
    %get3A_145 = vector.load %arg1[%get3A_142, %get3A_143, %get3A_144] : memref<8x1x576xf32, #tpu.memory_space<vmem>>, vector<1x1x576xf32>
    %get3A_146 = vector.shape_cast %get3A_145 : vector<1x1x576xf32> to vector<1x576xf32>
    %bitcast_convert_type3A_147 = tpu.bitcast %get3A_146 : vector<1x576xf32> -> vector<1x576xi32>
    %mul3A_148 = arith.constant 2 : i32
    %mul3A_149 = vector.broadcast %mul3A_148 : i32 to vector<1x576xi32>
    %mul3A_150 = arith.muli %mul3A_149, %bitcast_convert_type3A_147 : vector<1x576xi32>
    %add3A_151 = vector.broadcast %mul3A_141 : vector<576x1xi32> to vector<576x576xi32>
    %add3A_152 = arith.addi %add3A_151, %get3A_1 : vector<576x576xi32>
    %le3A_153 = vector.broadcast %mul3A_150 : vector<1x576xi32> to vector<576x576xi32>
    %le3A_154 = arith.cmpi sle, %add3A_152, %le3A_153 : vector<576x576xi32>
    %jit3A_155 = arith.constant 1.000000e+00 : f32
    %jit3A_156 = arith.constant 0.000000e+00 : f32
    %broadcast_in_dim3A_157 = vector.broadcast %jit3A_155 : f32 to vector<576x576xf32>
    %broadcast_in_dim3A_158 = vector.broadcast %jit3A_156 : f32 to vector<576x576xf32>
    %select_n3A_159 = arith.select %le3A_154, %broadcast_in_dim3A_157, %broadcast_in_dim3A_158 : vector<576x576xi1>, vector<576x576xf32>
    %dot_general3A_160 = arith.constant dense<0.000000e+00> : vector<1x576xf32>
    %dot_general3A_161 = tpu.matmul %broadcast_in_dim3A_3, %select_n3A_159, %dot_general3A_160 {dimension_numbers = #tpu.dot_dimension_numbers<[1], [0], [0], [1], [0, 0, 1, 1], [], []>, transpose_lhs_hint = false} : vector<1x576xf32>, vector<576x576xf32>, vector<1x576xf32> -> vector<1x576xf32>
    %convert_element_type3A_162 = arith.fptosi %dot_general3A_161 : vector<1x576xf32> to vector<1x576xi32>
    %swap3A_163 = arith.constant 2 : index
    %swap3A_164 = arith.constant 0 : index
    %swap3A_165 = arith.constant 0 : index
    %swap3A_166 = vector.load %arg4[%swap3A_163, %swap3A_164, %swap3A_165] : memref<8x1x576xi32, #tpu.memory_space<vmem>>, vector<1x1x576xi32>
    %swap3A_167 = vector.shape_cast %swap3A_166 : vector<1x1x576xi32> to vector<1x576xi32>
    %swap3A_168 = vector.shape_cast %convert_element_type3A_162 : vector<1x576xi32> to vector<1x1x576xi32>
    tpu.vector_store %arg4[%swap3A_163, %swap3A_164, %swap3A_165], %swap3A_168 {strides = array<i32>} : memref<8x1x576xi32, #tpu.memory_space<vmem>>, vector<1x1x576xi32>,
    %ge3A_169 = arith.constant 1.440000e+02 : f32
    %ge3A_170 = vector.broadcast %ge3A_169 : f32 to vector<1x576xf32>
    %ge3A_171 = arith.cmpf oge, %dot_general3A_161, %ge3A_170 : vector<1x576xf32>
    %convert_element_type3A_172 = arith.extui %ge3A_171 : vector<1x576xi1> to vector<1x576xi32>
    %convert_element_type3A_173 = arith.sitofp %convert_element_type3A_172 : vector<1x576xi32> to vector<1x576xf32>
    %swap3A_174 = arith.constant 2 : index
    %swap3A_175 = arith.constant 0 : index
    %swap3A_176 = arith.constant 0 : index
    %swap3A_177 = vector.load %arg5[%swap3A_174, %swap3A_175, %swap3A_176] : memref<8x1x576xf32, #tpu.memory_space<vmem>>, vector<1x1x576xf32>
    %swap3A_178 = vector.shape_cast %swap3A_177 : vector<1x1x576xf32> to vector<1x576xf32>
    %swap3A_179 = vector.shape_cast %convert_element_type3A_173 : vector<1x576xf32> to vector<1x1x576xf32>
    tpu.vector_store %arg5[%swap3A_174, %swap3A_175, %swap3A_176], %swap3A_179 {strides = array<i32>} : memref<8x1x576xf32, #tpu.memory_space<vmem>>, vector<1x1x576xf32>,
    %eq3A_180 = vector.broadcast %convert_element_type3A_162 : vector<1x576xi32> to vector<144x576xi32>
    %eq3A_181 = arith.cmpi eq, %eq3A_180, %iota3A : vector<144x576xi32>
    %jit3A_182 = arith.constant 0.000000e+00 : f32
    %broadcast_in_dim3A_183 = vector.broadcast %jit3A_182 : f32 to vector<144x576xf32>
    %select_n3A_184 = arith.select %eq3A_181, %convert_element_type3A, %broadcast_in_dim3A_183 : vector<144x576xi1>, vector<144x576xf32>
    %reduce_sum3A_185 = arith.constant dense<0.000000e+00> : vector<144xf32>
    %reduce_sum3A_186 = vector.multi_reduction <add>, %select_n3A_184, %reduce_sum3A_185 [1] : vector<144x576xf32> to vector<144xf32>
    %broadcast_in_dim3A_187 = vector.shape_cast %reduce_sum3A_186 : vector<144xf32> to vector<144x1xf32>
    %convert_element_type3A_188 = arith.fptosi %broadcast_in_dim3A_187 : vector<144x1xf32> to vector<144x1xi32>
    %mul3A_189 = arith.constant 8 : i32
    %mul3A_190 = arith.muli %mul3A_189, %arg0 : i32
    %add3A_191 = arith.constant 2 : i32
    %add3A_192 = arith.addi %mul3A_190, %add3A_191 : i32
    %mul3A_193 = arith.constant 576 : i32
    %mul3A_194 = arith.muli %mul3A_193, %add3A_192 : i32
    %add3A_195 = vector.broadcast %mul3A_194 : i32 to vector<144x1xi32>
    %add3A_196 = arith.addi %convert_element_type3A_188, %add3A_195 : vector<144x1xi32>
    %swap3A_197 = arith.constant 2 : index
    %swap3A_198 = arith.constant 0 : index
    %swap3A_199 = arith.constant 0 : index
    %swap3A_200 = vector.load %arg6[%swap3A_197, %swap3A_198, %swap3A_199] : memref<8x144x1xi32, #tpu.memory_space<vmem>>, vector<1x144x1xi32>
    %swap3A_201 = vector.shape_cast %swap3A_200 : vector<1x144x1xi32> to vector<144x1xi32>
    %swap3A_202 = vector.shape_cast %add3A_196 : vector<144x1xi32> to vector<1x144x1xi32>
    tpu.vector_store %arg6[%swap3A_197, %swap3A_198, %swap3A_199], %swap3A_202 {strides = array<i32>} : memref<8x144x1xi32, #tpu.memory_space<vmem>>, vector<1x144x1xi32>,
    %get3A_203 = arith.constant 3 : index
    %get3A_204 = arith.constant 0 : index
    %get3A_205 = arith.constant 0 : index
    %get3A_206 = vector.load %arg2[%get3A_203, %get3A_204, %get3A_205] : memref<8x576x1xf32, #tpu.memory_space<vmem>>, vector<1x576x1xf32>
    %get3A_207 = vector.shape_cast %get3A_206 : vector<1x576x1xf32> to vector<576x1xf32>
    %bitcast_convert_type3A_208 = tpu.bitcast %get3A_207 : vector<576x1xf32> -> vector<576x1xi32>
    %mul3A_209 = arith.constant 2 : i32
    %mul3A_210 = vector.broadcast %mul3A_209 : i32 to vector<576x1xi32>
    %mul3A_211 = arith.muli %mul3A_210, %bitcast_convert_type3A_208 : vector<576x1xi32>
    %get3A_212 = arith.constant 3 : index
    %get3A_213 = arith.constant 0 : index
    %get3A_214 = arith.constant 0 : index
    %get3A_215 = vector.load %arg1[%get3A_212, %get3A_213, %get3A_214] : memref<8x1x576xf32, #tpu.memory_space<vmem>>, vector<1x1x576xf32>
    %get3A_216 = vector.shape_cast %get3A_215 : vector<1x1x576xf32> to vector<1x576xf32>
    %bitcast_convert_type3A_217 = tpu.bitcast %get3A_216 : vector<1x576xf32> -> vector<1x576xi32>
    %mul3A_218 = arith.constant 2 : i32
    %mul3A_219 = vector.broadcast %mul3A_218 : i32 to vector<1x576xi32>
    %mul3A_220 = arith.muli %mul3A_219, %bitcast_convert_type3A_217 : vector<1x576xi32>
    %add3A_221 = vector.broadcast %mul3A_211 : vector<576x1xi32> to vector<576x576xi32>
    %add3A_222 = arith.addi %add3A_221, %get3A_1 : vector<576x576xi32>
    %le3A_223 = vector.broadcast %mul3A_220 : vector<1x576xi32> to vector<576x576xi32>
    %le3A_224 = arith.cmpi sle, %add3A_222, %le3A_223 : vector<576x576xi32>
    %jit3A_225 = arith.constant 1.000000e+00 : f32
    %jit3A_226 = arith.constant 0.000000e+00 : f32
    %broadcast_in_dim3A_227 = vector.broadcast %jit3A_225 : f32 to vector<576x576xf32>
    %broadcast_in_dim3A_228 = vector.broadcast %jit3A_226 : f32 to vector<576x576xf32>
    %select_n3A_229 = arith.select %le3A_224, %broadcast_in_dim3A_227, %broadcast_in_dim3A_228 : vector<576x576xi1>, vector<576x576xf32>
    %dot_general3A_230 = arith.constant dense<0.000000e+00> : vector<1x576xf32>
    %dot_general3A_231 = tpu.matmul %broadcast_in_dim3A_3, %select_n3A_229, %dot_general3A_230 {dimension_numbers = #tpu.dot_dimension_numbers<[1], [0], [0], [1], [0, 0, 1, 1], [], []>, transpose_lhs_hint = false} : vector<1x576xf32>, vector<576x576xf32>, vector<1x576xf32> -> vector<1x576xf32>
    %convert_element_type3A_232 = arith.fptosi %dot_general3A_231 : vector<1x576xf32> to vector<1x576xi32>
    %swap3A_233 = arith.constant 3 : index
    %swap3A_234 = arith.constant 0 : index
    %swap3A_235 = arith.constant 0 : index
    %swap3A_236 = vector.load %arg4[%swap3A_233, %swap3A_234, %swap3A_235] : memref<8x1x576xi32, #tpu.memory_space<vmem>>, vector<1x1x576xi32>
    %swap3A_237 = vector.shape_cast %swap3A_236 : vector<1x1x576xi32> to vector<1x576xi32>
    %swap3A_238 = vector.shape_cast %convert_element_type3A_232 : vector<1x576xi32> to vector<1x1x576xi32>
    tpu.vector_store %arg4[%swap3A_233, %swap3A_234, %swap3A_235], %swap3A_238 {strides = array<i32>} : memref<8x1x576xi32, #tpu.memory_space<vmem>>, vector<1x1x576xi32>,
    %ge3A_239 = arith.constant 1.440000e+02 : f32
    %ge3A_240 = vector.broadcast %ge3A_239 : f32 to vector<1x576xf32>
    %ge3A_241 = arith.cmpf oge, %dot_general3A_231, %ge3A_240 : vector<1x576xf32>
    %convert_element_type3A_242 = arith.extui %ge3A_241 : vector<1x576xi1> to vector<1x576xi32>
    %convert_element_type3A_243 = arith.sitofp %convert_element_type3A_242 : vector<1x576xi32> to vector<1x576xf32>
    %swap3A_244 = arith.constant 3 : index
    %swap3A_245 = arith.constant 0 : index
    %swap3A_246 = arith.constant 0 : index
    %swap3A_247 = vector.load %arg5[%swap3A_244, %swap3A_245, %swap3A_246] : memref<8x1x576xf32, #tpu.memory_space<vmem>>, vector<1x1x576xf32>
    %swap3A_248 = vector.shape_cast %swap3A_247 : vector<1x1x576xf32> to vector<1x576xf32>
    %swap3A_249 = vector.shape_cast %convert_element_type3A_243 : vector<1x576xf32> to vector<1x1x576xf32>
    tpu.vector_store %arg5[%swap3A_244, %swap3A_245, %swap3A_246], %swap3A_249 {strides = array<i32>} : memref<8x1x576xf32, #tpu.memory_space<vmem>>, vector<1x1x576xf32>,
    %eq3A_250 = vector.broadcast %convert_element_type3A_232 : vector<1x576xi32> to vector<144x576xi32>
    %eq3A_251 = arith.cmpi eq, %eq3A_250, %iota3A : vector<144x576xi32>
    %jit3A_252 = arith.constant 0.000000e+00 : f32
    %broadcast_in_dim3A_253 = vector.broadcast %jit3A_252 : f32 to vector<144x576xf32>
    %select_n3A_254 = arith.select %eq3A_251, %convert_element_type3A, %broadcast_in_dim3A_253 : vector<144x576xi1>, vector<144x576xf32>
    %reduce_sum3A_255 = arith.constant dense<0.000000e+00> : vector<144xf32>
    %reduce_sum3A_256 = vector.multi_reduction <add>, %select_n3A_254, %reduce_sum3A_255 [1] : vector<144x576xf32> to vector<144xf32>
    %broadcast_in_dim3A_257 = vector.shape_cast %reduce_sum3A_256 : vector<144xf32> to vector<144x1xf32>
    %convert_element_type3A_258 = arith.fptosi %broadcast_in_dim3A_257 : vector<144x1xf32> to vector<144x1xi32>
    %mul3A_259 = arith.constant 8 : i32
    %mul3A_260 = arith.muli %mul3A_259, %arg0 : i32
    %add3A_261 = arith.constant 3 : i32
    %add3A_262 = arith.addi %mul3A_260, %add3A_261 : i32
    %mul3A_263 = arith.constant 576 : i32
    %mul3A_264 = arith.muli %mul3A_263, %add3A_262 : i32
    %add3A_265 = vector.broadcast %mul3A_264 : i32 to vector<144x1xi32>
    %add3A_266 = arith.addi %convert_element_type3A_258, %add3A_265 : vector<144x1xi32>
    %swap3A_267 = arith.constant 3 : index
    %swap3A_268 = arith.constant 0 : index
    %swap3A_269 = arith.constant 0 : index
    %swap3A_270 = vector.load %arg6[%swap3A_267, %swap3A_268, %swap3A_269] : memref<8x144x1xi32, #tpu.memory_space<vmem>>, vector<1x144x1xi32>
    %swap3A_271 = vector.shape_cast %swap3A_270 : vector<1x144x1xi32> to vector<144x1xi32>
    %swap3A_272 = vector.shape_cast %add3A_266 : vector<144x1xi32> to vector<1x144x1xi32>
    tpu.vector_store %arg6[%swap3A_267, %swap3A_268, %swap3A_269], %swap3A_272 {strides = array<i32>} : memref<8x144x1xi32, #tpu.memory_space<vmem>>, vector<1x144x1xi32>,
    %get3A_273 = arith.constant 4 : index
    %get3A_274 = arith.constant 0 : index
    %get3A_275 = arith.constant 0 : index
    %get3A_276 = vector.load %arg2[%get3A_273, %get3A_274, %get3A_275] : memref<8x576x1xf32, #tpu.memory_space<vmem>>, vector<1x576x1xf32>
    %get3A_277 = vector.shape_cast %get3A_276 : vector<1x576x1xf32> to vector<576x1xf32>
    %bitcast_convert_type3A_278 = tpu.bitcast %get3A_277 : vector<576x1xf32> -> vector<576x1xi32>
    %mul3A_279 = arith.constant 2 : i32
    %mul3A_280 = vector.broadcast %mul3A_279 : i32 to vector<576x1xi32>
    %mul3A_281 = arith.muli %mul3A_280, %bitcast_convert_type3A_278 : vector<576x1xi32>
    %get3A_282 = arith.constant 4 : index
    %get3A_283 = arith.constant 0 : index
    %get3A_284 = arith.constant 0 : index
    %get3A_285 = vector.load %arg1[%get3A_282, %get3A_283, %get3A_284] : memref<8x1x576xf32, #tpu.memory_space<vmem>>, vector<1x1x576xf32>
    %get3A_286 = vector.shape_cast %get3A_285 : vector<1x1x576xf32> to vector<1x576xf32>
    %bitcast_convert_type3A_287 = tpu.bitcast %get3A_286 : vector<1x576xf32> -> vector<1x576xi32>
    %mul3A_288 = arith.constant 2 : i32
    %mul3A_289 = vector.broadcast %mul3A_288 : i32 to vector<1x576xi32>
    %mul3A_290 = arith.muli %mul3A_289, %bitcast_convert_type3A_287 : vector<1x576xi32>
    %add3A_291 = vector.broadcast %mul3A_281 : vector<576x1xi32> to vector<576x576xi32>
    %add3A_292 = arith.addi %add3A_291, %get3A_1 : vector<576x576xi32>
    %le3A_293 = vector.broadcast %mul3A_290 : vector<1x576xi32> to vector<576x576xi32>
    %le3A_294 = arith.cmpi sle, %add3A_292, %le3A_293 : vector<576x576xi32>
    %jit3A_295 = arith.constant 1.000000e+00 : f32
    %jit3A_296 = arith.constant 0.000000e+00 : f32
    %broadcast_in_dim3A_297 = vector.broadcast %jit3A_295 : f32 to vector<576x576xf32>
    %broadcast_in_dim3A_298 = vector.broadcast %jit3A_296 : f32 to vector<576x576xf32>
    %select_n3A_299 = arith.select %le3A_294, %broadcast_in_dim3A_297, %broadcast_in_dim3A_298 : vector<576x576xi1>, vector<576x576xf32>
    %dot_general3A_300 = arith.constant dense<0.000000e+00> : vector<1x576xf32>
    %dot_general3A_301 = tpu.matmul %broadcast_in_dim3A_3, %select_n3A_299, %dot_general3A_300 {dimension_numbers = #tpu.dot_dimension_numbers<[1], [0], [0], [1], [0, 0, 1, 1], [], []>, transpose_lhs_hint = false} : vector<1x576xf32>, vector<576x576xf32>, vector<1x576xf32> -> vector<1x576xf32>
    %convert_element_type3A_302 = arith.fptosi %dot_general3A_301 : vector<1x576xf32> to vector<1x576xi32>
    %swap3A_303 = arith.constant 4 : index
    %swap3A_304 = arith.constant 0 : index
    %swap3A_305 = arith.constant 0 : index
    %swap3A_306 = vector.load %arg4[%swap3A_303, %swap3A_304, %swap3A_305] : memref<8x1x576xi32, #tpu.memory_space<vmem>>, vector<1x1x576xi32>
    %swap3A_307 = vector.shape_cast %swap3A_306 : vector<1x1x576xi32> to vector<1x576xi32>
    %swap3A_308 = vector.shape_cast %convert_element_type3A_302 : vector<1x576xi32> to vector<1x1x576xi32>
    tpu.vector_store %arg4[%swap3A_303, %swap3A_304, %swap3A_305], %swap3A_308 {strides = array<i32>} : memref<8x1x576xi32, #tpu.memory_space<vmem>>, vector<1x1x576xi32>,
    %ge3A_309 = arith.constant 1.440000e+02 : f32
    %ge3A_310 = vector.broadcast %ge3A_309 : f32 to vector<1x576xf32>
    %ge3A_311 = arith.cmpf oge, %dot_general3A_301, %ge3A_310 : vector<1x576xf32>
    %convert_element_type3A_312 = arith.extui %ge3A_311 : vector<1x576xi1> to vector<1x576xi32>
    %convert_element_type3A_313 = arith.sitofp %convert_element_type3A_312 : vector<1x576xi32> to vector<1x576xf32>
    %swap3A_314 = arith.constant 4 : index
    %swap3A_315 = arith.constant 0 : index
    %swap3A_316 = arith.constant 0 : index
    %swap3A_317 = vector.load %arg5[%swap3A_314, %swap3A_315, %swap3A_316] : memref<8x1x576xf32, #tpu.memory_space<vmem>>, vector<1x1x576xf32>
    %swap3A_318 = vector.shape_cast %swap3A_317 : vector<1x1x576xf32> to vector<1x576xf32>
    %swap3A_319 = vector.shape_cast %convert_element_type3A_313 : vector<1x576xf32> to vector<1x1x576xf32>
    tpu.vector_store %arg5[%swap3A_314, %swap3A_315, %swap3A_316], %swap3A_319 {strides = array<i32>} : memref<8x1x576xf32, #tpu.memory_space<vmem>>, vector<1x1x576xf32>,
    %eq3A_320 = vector.broadcast %convert_element_type3A_302 : vector<1x576xi32> to vector<144x576xi32>
    %eq3A_321 = arith.cmpi eq, %eq3A_320, %iota3A : vector<144x576xi32>
    %jit3A_322 = arith.constant 0.000000e+00 : f32
    %broadcast_in_dim3A_323 = vector.broadcast %jit3A_322 : f32 to vector<144x576xf32>
    %select_n3A_324 = arith.select %eq3A_321, %convert_element_type3A, %broadcast_in_dim3A_323 : vector<144x576xi1>, vector<144x576xf32>
    %reduce_sum3A_325 = arith.constant dense<0.000000e+00> : vector<144xf32>
    %reduce_sum3A_326 = vector.multi_reduction <add>, %select_n3A_324, %reduce_sum3A_325 [1] : vector<144x576xf32> to vector<144xf32>
    %broadcast_in_dim3A_327 = vector.shape_cast %reduce_sum3A_326 : vector<144xf32> to vector<144x1xf32>
    %convert_element_type3A_328 = arith.fptosi %broadcast_in_dim3A_327 : vector<144x1xf32> to vector<144x1xi32>
    %mul3A_329 = arith.constant 8 : i32
    %mul3A_330 = arith.muli %mul3A_329, %arg0 : i32
    %add3A_331 = arith.constant 4 : i32
    %add3A_332 = arith.addi %mul3A_330, %add3A_331 : i32
    %mul3A_333 = arith.constant 576 : i32
    %mul3A_334 = arith.muli %mul3A_333, %add3A_332 : i32
    %add3A_335 = vector.broadcast %mul3A_334 : i32 to vector<144x1xi32>
    %add3A_336 = arith.addi %convert_element_type3A_328, %add3A_335 : vector<144x1xi32>
    %swap3A_337 = arith.constant 4 : index
    %swap3A_338 = arith.constant 0 : index
    %swap3A_339 = arith.constant 0 : index
    %swap3A_340 = vector.load %arg6[%swap3A_337, %swap3A_338, %swap3A_339] : memref<8x144x1xi32, #tpu.memory_space<vmem>>, vector<1x144x1xi32>
    %swap3A_341 = vector.shape_cast %swap3A_340 : vector<1x144x1xi32> to vector<144x1xi32>
    %swap3A_342 = vector.shape_cast %add3A_336 : vector<144x1xi32> to vector<1x144x1xi32>
    tpu.vector_store %arg6[%swap3A_337, %swap3A_338, %swap3A_339], %swap3A_342 {strides = array<i32>} : memref<8x144x1xi32, #tpu.memory_space<vmem>>, vector<1x144x1xi32>,
    %get3A_343 = arith.constant 5 : index
    %get3A_344 = arith.constant 0 : index
    %get3A_345 = arith.constant 0 : index
    %get3A_346 = vector.load %arg2[%get3A_343, %get3A_344, %get3A_345] : memref<8x576x1xf32, #tpu.memory_space<vmem>>, vector<1x576x1xf32>
    %get3A_347 = vector.shape_cast %get3A_346 : vector<1x576x1xf32> to vector<576x1xf32>
    %bitcast_convert_type3A_348 = tpu.bitcast %get3A_347 : vector<576x1xf32> -> vector<576x1xi32>
    %mul3A_349 = arith.constant 2 : i32
    %mul3A_350 = vector.broadcast %mul3A_349 : i32 to vector<576x1xi32>
    %mul3A_351 = arith.muli %mul3A_350, %bitcast_convert_type3A_348 : vector<576x1xi32>
    %get3A_352 = arith.constant 5 : index
    %get3A_353 = arith.constant 0 : index
    %get3A_354 = arith.constant 0 : index
    %get3A_355 = vector.load %arg1[%get3A_352, %get3A_353, %get3A_354] : memref<8x1x576xf32, #tpu.memory_space<vmem>>, vector<1x1x576xf32>
    %get3A_356 = vector.shape_cast %get3A_355 : vector<1x1x576xf32> to vector<1x576xf32>
    %bitcast_convert_type3A_357 = tpu.bitcast %get3A_356 : vector<1x576xf32> -> vector<1x576xi32>
    %mul3A_358 = arith.constant 2 : i32
    %mul3A_359 = vector.broadcast %mul3A_358 : i32 to vector<1x576xi32>
    %mul3A_360 = arith.muli %mul3A_359, %bitcast_convert_type3A_357 : vector<1x576xi32>
    %add3A_361 = vector.broadcast %mul3A_351 : vector<576x1xi32> to vector<576x576xi32>
    %add3A_362 = arith.addi %add3A_361, %get3A_1 : vector<576x576xi32>
    %le3A_363 = vector.broadcast %mul3A_360 : vector<1x576xi32> to vector<576x576xi32>
    %le3A_364 = arith.cmpi sle, %add3A_362, %le3A_363 : vector<576x576xi32>
    %jit3A_365 = arith.constant 1.000000e+00 : f32
    %jit3A_366 = arith.constant 0.000000e+00 : f32
    %broadcast_in_dim3A_367 = vector.broadcast %jit3A_365 : f32 to vector<576x576xf32>
    %broadcast_in_dim3A_368 = vector.broadcast %jit3A_366 : f32 to vector<576x576xf32>
    %select_n3A_369 = arith.select %le3A_364, %broadcast_in_dim3A_367, %broadcast_in_dim3A_368 : vector<576x576xi1>, vector<576x576xf32>
    %dot_general3A_370 = arith.constant dense<0.000000e+00> : vector<1x576xf32>
    %dot_general3A_371 = tpu.matmul %broadcast_in_dim3A_3, %select_n3A_369, %dot_general3A_370 {dimension_numbers = #tpu.dot_dimension_numbers<[1], [0], [0], [1], [0, 0, 1, 1], [], []>, transpose_lhs_hint = false} : vector<1x576xf32>, vector<576x576xf32>, vector<1x576xf32> -> vector<1x576xf32>
    %convert_element_type3A_372 = arith.fptosi %dot_general3A_371 : vector<1x576xf32> to vector<1x576xi32>
    %swap3A_373 = arith.constant 5 : index
    %swap3A_374 = arith.constant 0 : index
    %swap3A_375 = arith.constant 0 : index
    %swap3A_376 = vector.load %arg4[%swap3A_373, %swap3A_374, %swap3A_375] : memref<8x1x576xi32, #tpu.memory_space<vmem>>, vector<1x1x576xi32>
    %swap3A_377 = vector.shape_cast %swap3A_376 : vector<1x1x576xi32> to vector<1x576xi32>
    %swap3A_378 = vector.shape_cast %convert_element_type3A_372 : vector<1x576xi32> to vector<1x1x576xi32>
    tpu.vector_store %arg4[%swap3A_373, %swap3A_374, %swap3A_375], %swap3A_378 {strides = array<i32>} : memref<8x1x576xi32, #tpu.memory_space<vmem>>, vector<1x1x576xi32>,
    %ge3A_379 = arith.constant 1.440000e+02 : f32
    %ge3A_380 = vector.broadcast %ge3A_379 : f32 to vector<1x576xf32>
    %ge3A_381 = arith.cmpf oge, %dot_general3A_371, %ge3A_380 : vector<1x576xf32>
    %convert_element_type3A_382 = arith.extui %ge3A_381 : vector<1x576xi1> to vector<1x576xi32>
    %convert_element_type3A_383 = arith.sitofp %convert_element_type3A_382 : vector<1x576xi32> to vector<1x576xf32>
    %swap3A_384 = arith.constant 5 : index
    %swap3A_385 = arith.constant 0 : index
    %swap3A_386 = arith.constant 0 : index
    %swap3A_387 = vector.load %arg5[%swap3A_384, %swap3A_385, %swap3A_386] : memref<8x1x576xf32, #tpu.memory_space<vmem>>, vector<1x1x576xf32>
    %swap3A_388 = vector.shape_cast %swap3A_387 : vector<1x1x576xf32> to vector<1x576xf32>
    %swap3A_389 = vector.shape_cast %convert_element_type3A_383 : vector<1x576xf32> to vector<1x1x576xf32>
    tpu.vector_store %arg5[%swap3A_384, %swap3A_385, %swap3A_386], %swap3A_389 {strides = array<i32>} : memref<8x1x576xf32, #tpu.memory_space<vmem>>, vector<1x1x576xf32>,
    %eq3A_390 = vector.broadcast %convert_element_type3A_372 : vector<1x576xi32> to vector<144x576xi32>
    %eq3A_391 = arith.cmpi eq, %eq3A_390, %iota3A : vector<144x576xi32>
    %jit3A_392 = arith.constant 0.000000e+00 : f32
    %broadcast_in_dim3A_393 = vector.broadcast %jit3A_392 : f32 to vector<144x576xf32>
    %select_n3A_394 = arith.select %eq3A_391, %convert_element_type3A, %broadcast_in_dim3A_393 : vector<144x576xi1>, vector<144x576xf32>
    %reduce_sum3A_395 = arith.constant dense<0.000000e+00> : vector<144xf32>
    %reduce_sum3A_396 = vector.multi_reduction <add>, %select_n3A_394, %reduce_sum3A_395 [1] : vector<144x576xf32> to vector<144xf32>
    %broadcast_in_dim3A_397 = vector.shape_cast %reduce_sum3A_396 : vector<144xf32> to vector<144x1xf32>
    %convert_element_type3A_398 = arith.fptosi %broadcast_in_dim3A_397 : vector<144x1xf32> to vector<144x1xi32>
    %mul3A_399 = arith.constant 8 : i32
    %mul3A_400 = arith.muli %mul3A_399, %arg0 : i32
    %add3A_401 = arith.constant 5 : i32
    %add3A_402 = arith.addi %mul3A_400, %add3A_401 : i32
    %mul3A_403 = arith.constant 576 : i32
    %mul3A_404 = arith.muli %mul3A_403, %add3A_402 : i32
    %add3A_405 = vector.broadcast %mul3A_404 : i32 to vector<144x1xi32>
    %add3A_406 = arith.addi %convert_element_type3A_398, %add3A_405 : vector<144x1xi32>
    %swap3A_407 = arith.constant 5 : index
    %swap3A_408 = arith.constant 0 : index
    %swap3A_409 = arith.constant 0 : index
    %swap3A_410 = vector.load %arg6[%swap3A_407, %swap3A_408, %swap3A_409] : memref<8x144x1xi32, #tpu.memory_space<vmem>>, vector<1x144x1xi32>
    %swap3A_411 = vector.shape_cast %swap3A_410 : vector<1x144x1xi32> to vector<144x1xi32>
    %swap3A_412 = vector.shape_cast %add3A_406 : vector<144x1xi32> to vector<1x144x1xi32>
    tpu.vector_store %arg6[%swap3A_407, %swap3A_408, %swap3A_409], %swap3A_412 {strides = array<i32>} : memref<8x144x1xi32, #tpu.memory_space<vmem>>, vector<1x144x1xi32>,
    %get3A_413 = arith.constant 6 : index
    %get3A_414 = arith.constant 0 : index
    %get3A_415 = arith.constant 0 : index
    %get3A_416 = vector.load %arg2[%get3A_413, %get3A_414, %get3A_415] : memref<8x576x1xf32, #tpu.memory_space<vmem>>, vector<1x576x1xf32>
    %get3A_417 = vector.shape_cast %get3A_416 : vector<1x576x1xf32> to vector<576x1xf32>
    %bitcast_convert_type3A_418 = tpu.bitcast %get3A_417 : vector<576x1xf32> -> vector<576x1xi32>
    %mul3A_419 = arith.constant 2 : i32
    %mul3A_420 = vector.broadcast %mul3A_419 : i32 to vector<576x1xi32>
    %mul3A_421 = arith.muli %mul3A_420, %bitcast_convert_type3A_418 : vector<576x1xi32>
    %get3A_422 = arith.constant 6 : index
    %get3A_423 = arith.constant 0 : index
    %get3A_424 = arith.constant 0 : index
    %get3A_425 = vector.load %arg1[%get3A_422, %get3A_423, %get3A_424] : memref<8x1x576xf32, #tpu.memory_space<vmem>>, vector<1x1x576xf32>
    %get3A_426 = vector.shape_cast %get3A_425 : vector<1x1x576xf32> to vector<1x576xf32>
    %bitcast_convert_type3A_427 = tpu.bitcast %get3A_426 : vector<1x576xf32> -> vector<1x576xi32>
    %mul3A_428 = arith.constant 2 : i32
    %mul3A_429 = vector.broadcast %mul3A_428 : i32 to vector<1x576xi32>
    %mul3A_430 = arith.muli %mul3A_429, %bitcast_convert_type3A_427 : vector<1x576xi32>
    %add3A_431 = vector.broadcast %mul3A_421 : vector<576x1xi32> to vector<576x576xi32>
    %add3A_432 = arith.addi %add3A_431, %get3A_1 : vector<576x576xi32>
    %le3A_433 = vector.broadcast %mul3A_430 : vector<1x576xi32> to vector<576x576xi32>
    %le3A_434 = arith.cmpi sle, %add3A_432, %le3A_433 : vector<576x576xi32>
    %jit3A_435 = arith.constant 1.000000e+00 : f32
    %jit3A_436 = arith.constant 0.000000e+00 : f32
    %broadcast_in_dim3A_437 = vector.broadcast %jit3A_435 : f32 to vector<576x576xf32>
    %broadcast_in_dim3A_438 = vector.broadcast %jit3A_436 : f32 to vector<576x576xf32>
    %select_n3A_439 = arith.select %le3A_434, %broadcast_in_dim3A_437, %broadcast_in_dim3A_438 : vector<576x576xi1>, vector<576x576xf32>
    %dot_general3A_440 = arith.constant dense<0.000000e+00> : vector<1x576xf32>
    %dot_general3A_441 = tpu.matmul %broadcast_in_dim3A_3, %select_n3A_439, %dot_general3A_440 {dimension_numbers = #tpu.dot_dimension_numbers<[1], [0], [0], [1], [0, 0, 1, 1], [], []>, transpose_lhs_hint = false} : vector<1x576xf32>, vector<576x576xf32>, vector<1x576xf32> -> vector<1x576xf32>
    %convert_element_type3A_442 = arith.fptosi %dot_general3A_441 : vector<1x576xf32> to vector<1x576xi32>
    %swap3A_443 = arith.constant 6 : index
    %swap3A_444 = arith.constant 0 : index
    %swap3A_445 = arith.constant 0 : index
    %swap3A_446 = vector.load %arg4[%swap3A_443, %swap3A_444, %swap3A_445] : memref<8x1x576xi32, #tpu.memory_space<vmem>>, vector<1x1x576xi32>
    %swap3A_447 = vector.shape_cast %swap3A_446 : vector<1x1x576xi32> to vector<1x576xi32>
    %swap3A_448 = vector.shape_cast %convert_element_type3A_442 : vector<1x576xi32> to vector<1x1x576xi32>
    tpu.vector_store %arg4[%swap3A_443, %swap3A_444, %swap3A_445], %swap3A_448 {strides = array<i32>} : memref<8x1x576xi32, #tpu.memory_space<vmem>>, vector<1x1x576xi32>,
    %ge3A_449 = arith.constant 1.440000e+02 : f32
    %ge3A_450 = vector.broadcast %ge3A_449 : f32 to vector<1x576xf32>
    %ge3A_451 = arith.cmpf oge, %dot_general3A_441, %ge3A_450 : vector<1x576xf32>
    %convert_element_type3A_452 = arith.extui %ge3A_451 : vector<1x576xi1> to vector<1x576xi32>
    %convert_element_type3A_453 = arith.sitofp %convert_element_type3A_452 : vector<1x576xi32> to vector<1x576xf32>
    %swap3A_454 = arith.constant 6 : index
    %swap3A_455 = arith.constant 0 : index
    %swap3A_456 = arith.constant 0 : index
    %swap3A_457 = vector.load %arg5[%swap3A_454, %swap3A_455, %swap3A_456] : memref<8x1x576xf32, #tpu.memory_space<vmem>>, vector<1x1x576xf32>
    %swap3A_458 = vector.shape_cast %swap3A_457 : vector<1x1x576xf32> to vector<1x576xf32>
    %swap3A_459 = vector.shape_cast %convert_element_type3A_453 : vector<1x576xf32> to vector<1x1x576xf32>
    tpu.vector_store %arg5[%swap3A_454, %swap3A_455, %swap3A_456], %swap3A_459 {strides = array<i32>} : memref<8x1x576xf32, #tpu.memory_space<vmem>>, vector<1x1x576xf32>,
    %eq3A_460 = vector.broadcast %convert_element_type3A_442 : vector<1x576xi32> to vector<144x576xi32>
    %eq3A_461 = arith.cmpi eq, %eq3A_460, %iota3A : vector<144x576xi32>
    %jit3A_462 = arith.constant 0.000000e+00 : f32
    %broadcast_in_dim3A_463 = vector.broadcast %jit3A_462 : f32 to vector<144x576xf32>
    %select_n3A_464 = arith.select %eq3A_461, %convert_element_type3A, %broadcast_in_dim3A_463 : vector<144x576xi1>, vector<144x576xf32>
    %reduce_sum3A_465 = arith.constant dense<0.000000e+00> : vector<144xf32>
    %reduce_sum3A_466 = vector.multi_reduction <add>, %select_n3A_464, %reduce_sum3A_465 [1] : vector<144x576xf32> to vector<144xf32>
    %broadcast_in_dim3A_467 = vector.shape_cast %reduce_sum3A_466 : vector<144xf32> to vector<144x1xf32>
    %convert_element_type3A_468 = arith.fptosi %broadcast_in_dim3A_467 : vector<144x1xf32> to vector<144x1xi32>
    %mul3A_469 = arith.constant 8 : i32
    %mul3A_470 = arith.muli %mul3A_469, %arg0 : i32
    %add3A_471 = arith.constant 6 : i32
    %add3A_472 = arith.addi %mul3A_470, %add3A_471 : i32
    %mul3A_473 = arith.constant 576 : i32
    %mul3A_474 = arith.muli %mul3A_473, %add3A_472 : i32
    %add3A_475 = vector.broadcast %mul3A_474 : i32 to vector<144x1xi32>
    %add3A_476 = arith.addi %convert_element_type3A_468, %add3A_475 : vector<144x1xi32>
    %swap3A_477 = arith.constant 6 : index
    %swap3A_478 = arith.constant 0 : index
    %swap3A_479 = arith.constant 0 : index
    %swap3A_480 = vector.load %arg6[%swap3A_477, %swap3A_478, %swap3A_479] : memref<8x144x1xi32, #tpu.memory_space<vmem>>, vector<1x144x1xi32>
    %swap3A_481 = vector.shape_cast %swap3A_480 : vector<1x144x1xi32> to vector<144x1xi32>
    %swap3A_482 = vector.shape_cast %add3A_476 : vector<144x1xi32> to vector<1x144x1xi32>
    tpu.vector_store %arg6[%swap3A_477, %swap3A_478, %swap3A_479], %swap3A_482 {strides = array<i32>} : memref<8x144x1xi32, #tpu.memory_space<vmem>>, vector<1x144x1xi32>,
    %get3A_483 = arith.constant 7 : index
    %get3A_484 = arith.constant 0 : index
    %get3A_485 = arith.constant 0 : index
    %get3A_486 = vector.load %arg2[%get3A_483, %get3A_484, %get3A_485] : memref<8x576x1xf32, #tpu.memory_space<vmem>>, vector<1x576x1xf32>
    %get3A_487 = vector.shape_cast %get3A_486 : vector<1x576x1xf32> to vector<576x1xf32>
    %bitcast_convert_type3A_488 = tpu.bitcast %get3A_487 : vector<576x1xf32> -> vector<576x1xi32>
    %mul3A_489 = arith.constant 2 : i32
    %mul3A_490 = vector.broadcast %mul3A_489 : i32 to vector<576x1xi32>
    %mul3A_491 = arith.muli %mul3A_490, %bitcast_convert_type3A_488 : vector<576x1xi32>
    %get3A_492 = arith.constant 7 : index
    %get3A_493 = arith.constant 0 : index
    %get3A_494 = arith.constant 0 : index
    %get3A_495 = vector.load %arg1[%get3A_492, %get3A_493, %get3A_494] : memref<8x1x576xf32, #tpu.memory_space<vmem>>, vector<1x1x576xf32>
    %get3A_496 = vector.shape_cast %get3A_495 : vector<1x1x576xf32> to vector<1x576xf32>
    %bitcast_convert_type3A_497 = tpu.bitcast %get3A_496 : vector<1x576xf32> -> vector<1x576xi32>
    %mul3A_498 = arith.constant 2 : i32
    %mul3A_499 = vector.broadcast %mul3A_498 : i32 to vector<1x576xi32>
    %mul3A_500 = arith.muli %mul3A_499, %bitcast_convert_type3A_497 : vector<1x576xi32>
    %add3A_501 = vector.broadcast %mul3A_491 : vector<576x1xi32> to vector<576x576xi32>
    %add3A_502 = arith.addi %add3A_501, %get3A_1 : vector<576x576xi32>
    %le3A_503 = vector.broadcast %mul3A_500 : vector<1x576xi32> to vector<576x576xi32>
    %le3A_504 = arith.cmpi sle, %add3A_502, %le3A_503 : vector<576x576xi32>
    %jit3A_505 = arith.constant 1.000000e+00 : f32
    %jit3A_506 = arith.constant 0.000000e+00 : f32
    %broadcast_in_dim3A_507 = vector.broadcast %jit3A_505 : f32 to vector<576x576xf32>
    %broadcast_in_dim3A_508 = vector.broadcast %jit3A_506 : f32 to vector<576x576xf32>
    %select_n3A_509 = arith.select %le3A_504, %broadcast_in_dim3A_507, %broadcast_in_dim3A_508 : vector<576x576xi1>, vector<576x576xf32>
    %dot_general3A_510 = arith.constant dense<0.000000e+00> : vector<1x576xf32>
    %dot_general3A_511 = tpu.matmul %broadcast_in_dim3A_3, %select_n3A_509, %dot_general3A_510 {dimension_numbers = #tpu.dot_dimension_numbers<[1], [0], [0], [1], [0, 0, 1, 1], [], []>, transpose_lhs_hint = false} : vector<1x576xf32>, vector<576x576xf32>, vector<1x576xf32> -> vector<1x576xf32>
    %convert_element_type3A_512 = arith.fptosi %dot_general3A_511 : vector<1x576xf32> to vector<1x576xi32>
    %swap3A_513 = arith.constant 7 : index
    %swap3A_514 = arith.constant 0 : index
    %swap3A_515 = arith.constant 0 : index
    %swap3A_516 = vector.load %arg4[%swap3A_513, %swap3A_514, %swap3A_515] : memref<8x1x576xi32, #tpu.memory_space<vmem>>, vector<1x1x576xi32>
    %swap3A_517 = vector.shape_cast %swap3A_516 : vector<1x1x576xi32> to vector<1x576xi32>
    %swap3A_518 = vector.shape_cast %convert_element_type3A_512 : vector<1x576xi32> to vector<1x1x576xi32>
    tpu.vector_store %arg4[%swap3A_513, %swap3A_514, %swap3A_515], %swap3A_518 {strides = array<i32>} : memref<8x1x576xi32, #tpu.memory_space<vmem>>, vector<1x1x576xi32>,
    %ge3A_519 = arith.constant 1.440000e+02 : f32
    %ge3A_520 = vector.broadcast %ge3A_519 : f32 to vector<1x576xf32>
    %ge3A_521 = arith.cmpf oge, %dot_general3A_511, %ge3A_520 : vector<1x576xf32>
    %convert_element_type3A_522 = arith.extui %ge3A_521 : vector<1x576xi1> to vector<1x576xi32>
    %convert_element_type3A_523 = arith.sitofp %convert_element_type3A_522 : vector<1x576xi32> to vector<1x576xf32>
    %swap3A_524 = arith.constant 7 : index
    %swap3A_525 = arith.constant 0 : index
    %swap3A_526 = arith.constant 0 : index
    %swap3A_527 = vector.load %arg5[%swap3A_524, %swap3A_525, %swap3A_526] : memref<8x1x576xf32, #tpu.memory_space<vmem>>, vector<1x1x576xf32>
    %swap3A_528 = vector.shape_cast %swap3A_527 : vector<1x1x576xf32> to vector<1x576xf32>
    %swap3A_529 = vector.shape_cast %convert_element_type3A_523 : vector<1x576xf32> to vector<1x1x576xf32>
    tpu.vector_store %arg5[%swap3A_524, %swap3A_525, %swap3A_526], %swap3A_529 {strides = array<i32>} : memref<8x1x576xf32, #tpu.memory_space<vmem>>, vector<1x1x576xf32>,
    %eq3A_530 = vector.broadcast %convert_element_type3A_512 : vector<1x576xi32> to vector<144x576xi32>
    %eq3A_531 = arith.cmpi eq, %eq3A_530, %iota3A : vector<144x576xi32>
    %jit3A_532 = arith.constant 0.000000e+00 : f32
    %broadcast_in_dim3A_533 = vector.broadcast %jit3A_532 : f32 to vector<144x576xf32>
    %select_n3A_534 = arith.select %eq3A_531, %convert_element_type3A, %broadcast_in_dim3A_533 : vector<144x576xi1>, vector<144x576xf32>
    %reduce_sum3A_535 = arith.constant dense<0.000000e+00> : vector<144xf32>
    %reduce_sum3A_536 = vector.multi_reduction <add>, %select_n3A_534, %reduce_sum3A_535 [1] : vector<144x576xf32> to vector<144xf32>
    %broadcast_in_dim3A_537 = vector.shape_cast %reduce_sum3A_536 : vector<144xf32> to vector<144x1xf32>
    %convert_element_type3A_538 = arith.fptosi %broadcast_in_dim3A_537 : vector<144x1xf32> to vector<144x1xi32>
    %mul3A_539 = arith.constant 8 : i32
    %mul3A_540 = arith.muli %mul3A_539, %arg0 : i32
    %add3A_541 = arith.constant 7 : i32
    %add3A_542 = arith.addi %mul3A_540, %add3A_541 : i32
    %mul3A_543 = arith.constant 576 : i32
    %mul3A_544 = arith.muli %mul3A_543, %add3A_542 : i32
    %add3A_545 = vector.broadcast %mul3A_544 : i32 to vector<144x1xi32>
    %add3A_546 = arith.addi %convert_element_type3A_538, %add3A_545 : vector<144x1xi32>
    %swap3A_547 = arith.constant 7 : index
    %swap3A_548 = arith.constant 0 : index
    %swap3A_549 = arith.constant 0 : index
    %swap3A_550 = vector.load %arg6[%swap3A_547, %swap3A_548, %swap3A_549] : memref<8x144x1xi32, #tpu.memory_space<vmem>>, vector<1x144x1xi32>
    %swap3A_551 = vector.shape_cast %swap3A_550 : vector<1x144x1xi32> to vector<144x1xi32>
    %swap3A_552 = vector.shape_cast %add3A_546 : vector<144x1xi32> to vector<1x144x1xi32>
    tpu.vector_store %arg6[%swap3A_547, %swap3A_548, %swap3A_549], %swap3A_552 {strides = array<i32>} : memref<8x144x1xi32, #tpu.memory_space<vmem>>, vector<1x144x1xi32>,
    return
  }
  func.func @transform_0(%arg0: i32) -> (i32, i32, i32) {
    %c0_i32 = arith.constant 0 : i32
    %c0_i32_0 = arith.constant 0 : i32
    %c0_i32_1 = arith.constant 0 : i32
    return %arg0, %c0_i32, %c0_i32_0 : i32, i32, i32
  }
  func.func @transform_1(%arg0: i32) -> (i32, i32, i32) {
    %c0_i32 = arith.constant 0 : i32
    %c0_i32_0 = arith.constant 0 : i32
    %c0_i32_1 = arith.constant 0 : i32
    return %arg0, %c0_i32, %c0_i32_0 : i32, i32, i32
  }
  func.func @transform_2(%arg0: i32) -> (i32, i32) {
    %c0_i32 = arith.constant 0 : i32
    %c0_i32_0 = arith.constant 0 : i32
    %c0_i32_1 = arith.constant 0 : i32
    return %c0_i32, %c0_i32_0 : i32, i32
  }
  func.func @transform_3(%arg0: i32) -> (i32, i32, i32) {
    %c0_i32 = arith.constant 0 : i32
    %c0_i32_0 = arith.constant 0 : i32
    %c0_i32_1 = arith.constant 0 : i32
    return %arg0, %c0_i32, %c0_i32_0 : i32, i32, i32
  }
  func.func @transform_4(%arg0: i32) -> (i32, i32, i32) {
    %c0_i32 = arith.constant 0 : i32
    %c0_i32_0 = arith.constant 0 : i32
    %c0_i32_1 = arith.constant 0 : i32
    return %arg0, %c0_i32, %c0_i32_0 : i32, i32, i32
  }
  func.func @transform_5(%arg0: i32) -> (i32, i32, i32) {
    %c0_i32 = arith.constant 0 : i32
    %c0_i32_0 = arith.constant 0 : i32
    %c0_i32_1 = arith.constant 0 : i32
    return %arg0, %c0_i32, %c0_i32_0 : i32, i32, i32
  }
}

</mosaic_0001>

<sc_bundles>
// kernel: kernel.4.cloned.1.call-start
scs
__scs_entry_jumppad:
0x0: {  	(pc) =	sbr.rel $0x88, $3  }
0x1: {  	(tag) =	ssettag $0x0;
	lr =	simm.s32 $0x1  }
0x2: {  	[smem:$0x3F9F] =	sst lr;
	_ =	strace $0xD0000000  }
0x3: {  	_ = 	snop  }
0x4: {  	_ = 	snop  }
0x5: {  	_ = 	snop  }
0x6: {  	_ = 	snop  }
0x7: {  	_ = 	snop  }
__scs_overlays_trampoline_lowered:
0x8: {  	[smem:$0x3FAE] =	sst s0  }
0x9: {  	[smem:$0x3FAF] =	sst s1  }
0xa: {  	[smem:$0x3FB0] =	sst s2  }
0xb: {  	[smem:$0x3FB1] =	sst s3  }
0xc: {  	[smem:$0x3FB2] =	sst s4  }
0xd: {  	[smem:$0x3FB3] =	sst s5  }
0xe: {  	[smem:$0x3FB4] =	sst s6  }
0xf: {  	[smem:$0x3FB5] =	sst s7  }
0x10: {  	[smem:$0x3FB6] =	sst s8  }
0x11: {  	[smem:$0x3FB7] =	sst s9;
	s0 =	simm.s32 @!p0 $0x0  }
0x12: {  	s1 =	sld [smem:$0x3F9D];
	s0 =	simm.s32 @p0 $0x1  }
0x13: {  	[smem:$0x3FB8] =	sst s0;
	s0 =	simm.s32 @!p1 $0x0  }
0x14: {  	s2 =	sld [smem:$0x3F9C];
	s0 =	simm.s32 @p1 $0x1  }
0x15: {  	[smem:$0x3FB9] =	sst s0;
	s0 =	simm.s32 @!p2 $0x0  }
0x16: {  	s3 =	sld [smem:$0x3FDB];
	s0 =	simm.s32 @p2 $0x1  }
0x17: {  	s4 =	simm.s32 $0x1BF5;
	[smem:$0x3FBB] =	sst s0  }
0x18: {  	s0 =	sld [smem:$0x3F9E];
	_ =	swait.ge [sflag:s4], $0x0  }
0x19: {  	s7 =	sld [smem:$0x3F9F]  }
0x1a: {  	s8 =	sadd.s32 $0xFFFFE003, lr  }
0x1b: {  	s9 =	sadd.s32 $0xFFFFFEF7, lr;
	s5 =	simm.s32 $0xFFFFFFFF;
	p2 =	slt.u32 s8, $0xFFFFF086  }
0x1c: {  	p1 =	slt.u32 s9, $0xF7A;
	s5 =	simm.s32 @!p2 $0x0  }
0x1d: {  	s5 =	simm.s32 @p1 $0x1;
	p0 =	seq.s32 s7, s2  }
0x1e: {  	s7 =	smul.u32 @!p0 $0xF7A, s2;
	p2 =	seq.s32 @!p0 s5, $0x0  }
0x1f: {  	s9 =	smul.u32 $0xF7A, s1;
	s8 =	simm.s32 @!p0 $0x1BF5;
	p2 =	por !p2, p0  }
0x20: {  	[sflag:s8] =	ssyncset.s32 @!p0 $0xFFFFF086;
	s6 =	sadd.s32 @!p0 s3, s7;
	s7 =	simm.s32 @!p0 $0x108  }
0x21: {  	s3 =	sadd.s32 s3, s9;
	s6 =	sadd.s32 @!p0 $0x88, s6;
	s7 =	simm.s32 @p2 $0x1082  }
0x22: {  	[simem:s7], [sflag:s8] =	dma.local @!p0 [hbm:s6], $0xF7A  }
0x23: {  	s9 =	sor.u32 $0xD0000000, s2;
	s6 =	simm.s32 $0x108;
	_ =	swait.ge @!p0 [sflag:s8], $0x0  }
0x24: {  	s3 =	sadd.s32 $0x88, s3;
	s6 =	simm.s32 @!p1 $0x1082;
	[sflag:s4] =	ssyncset.s32 $0xFFFFF086  }
0x25: {  	[simem:s6], [sflag:s4] =	dma.local [hbm:s3], $0xF7A  }
0x26: {  	[smem:$0x3F9F] =	sst s1;
	(tag) =	ssettag s2;
	_ =	strace s9  }
0x27: {  	s1 =	sld [smem:$0x3FAF]  }
0x28: {  	s2 =	sld [smem:$0x3FB0]  }
0x29: {  	s4 =	sld [smem:$0x3FB2]  }
0x2a: {  	p0 =	seq.s32 s5, $0x0;
	s5 =	sld [smem:$0x3FB3]  }
0x2b: {  	s6 =	sld [smem:$0x3FB4]  }
0x2c: {  	s7 =	sld [smem:$0x3FB5]  }
0x2d: {  	s3 =	simm.s32 $0x108;
	s8 =	sld [smem:$0x3FB6]  }
0x2e: {  	s3 =	simm.s32 @!p0 $0x1082;
	s9 =	sld [smem:$0x3FB7]  }
0x2f: {  	lr =	sadd.s32 s0, s3;
	s0 =	sld [smem:$0x3FAE]  }
0x30: {  	s3 =	sld [smem:$0x3FB1]  }
0x31: {  	[smem:$0x3FBA] =	sst s10  }
0x32: {  	s10 =	sld [smem:$0x3FB8];
	_ =	sdelay $0x3  }
0x33: {  	p0 =	seq.s32 s10, $0x1;
	s10 =	sld [smem:$0x3FBA];
	_ =	sdelay $0x3  }
0x34: {  	[smem:$0x3FBA] =	sst s10  }
0x35: {  	s10 =	sld [smem:$0x3FB9];
	_ =	sdelay $0x3  }
0x36: {  	p1 =	seq.s32 s10, $0x1;
	s10 =	sld [smem:$0x3FBA];
	_ =	sdelay $0x3  }
0x37: {  	[smem:$0x3FBA] =	sst s10  }
0x38: {  	s10 =	sld [smem:$0x3FBB]  }
0x39: {  	_ = 	snop;
	(pc) =	sbr.ind lr, $3  }
0x3a: {  	_ = 	snop  }
0x3b: {  	_ = 	snop  }
0x3c: {  	p2 =	seq.s32 s10, $0x1;
	s10 =	sld [smem:$0x3FBA]  }
0x3d: {  	_ =	shalt  }
0x3e: {  	_ =	shalt  }
0x3f: {  	_ =	shalt  }
0x40: {  	_ =	shalt  }
0x41: {  	_ =	shalt  }
0x42: {  	_ =	shalt  }
0x43: {  	_ =	shalt  }
0x44: {  	_ =	shalt  }
0x45: {  	_ =	shalt  }
0x46: {  	_ =	shalt  }
0x47: {  	_ =	shalt  }
0x48: {  	_ =	shalt  }
0x49: {  	_ =	shalt  }
0x4a: {  	_ =	shalt  }
0x4b: {  	_ =	shalt  }
0x4c: {  	_ =	shalt  }
0x4d: {  	_ =	shalt  }
0x4e: {  	_ =	shalt  }
0x4f: {  	_ =	shalt  }
0x50: {  	_ =	shalt  }
0x51: {  	_ =	shalt  }
0x52: {  	_ =	shalt  }
0x53: {  	_ =	shalt  }
0x54: {  	_ =	shalt  }
0x55: {  	_ =	shalt  }
0x56: {  	_ =	shalt  }
0x57: {  	_ =	shalt  }
0x58: {  	_ =	shalt  }
0x59: {  	_ =	shalt  }
0x5a: {  	_ =	shalt  }
0x5b: {  	_ =	shalt  }
0x5c: {  	_ =	shalt  }
0x5d: {  	_ =	shalt  }
0x5e: {  	_ =	shalt  }
0x5f: {  	_ =	shalt  }
0x60: {  	_ =	shalt  }
0x61: {  	_ =	shalt  }
0x62: {  	_ =	shalt  }
0x63: {  	_ =	shalt  }
0x64: {  	_ =	shalt  }
0x65: {  	_ =	shalt  }
0x66: {  	_ =	shalt  }
0x67: {  	_ =	shalt  }
0x68: {  	_ =	shalt  }
0x69: {  	_ =	shalt  }
0x6a: {  	_ =	shalt  }
0x6b: {  	_ =	shalt  }
0x6c: {  	_ =	shalt  }
0x6d: {  	_ =	shalt  }
0x6e: {  	_ =	shalt  }
0x6f: {  	_ =	shalt  }
0x70: {  	_ =	shalt  }
0x71: {  	_ =	shalt  }
0x72: {  	_ =	shalt  }
0x73: {  	_ =	shalt  }
0x74: {  	_ =	shalt  }
0x75: {  	_ =	shalt  }
0x76: {  	_ =	shalt  }
0x77: {  	_ =	shalt  }
0x78: {  	_ =	shalt  }
0x79: {  	_ =	shalt  }
0x7a: {  	_ =	shalt  }
0x7b: {  	_ =	shalt  }
0x7c: {  	_ =	shalt  }
0x7d: {  	_ =	shalt  }
0x7e: {  	_ =	shalt  }
0x7f: {  	_ =	shalt  }
0x80: {  	_ =	shalt  }
0x81: {  	_ =	shalt  }
0x82: {  	_ =	shalt  }
0x83: {  	_ =	shalt  }
0x84: {  	_ =	shalt  }
0x85: {  	_ =	shalt  }
0x86: {  	_ =	shalt  }
0x87: {  	_ =	shalt  }
.Lfunc_end0:
.L_simem_size_0:
called_computation_lowered:
.L_overlay_start_0:
0x88: {  	s2 =	sld [smem:$0x3FD9]  }
0x89: {  	s3 =	sld [smem:$0x3FFE];
	_ =	sdelay $0x1  }
0x8a: {  	s1 =	srdreg.scid  }
0x8b: {  	s0 =	sand.u32 $0x1, s1  }
0x8c: {  	s14 =	sshll.u32 s0, $0xA;
	s2 =	sadd.s32 s3, s2  }
0x8d: {  	s2 =	sadd.s32 s2, s14  }
0x8e: {  	[smem:$0x3FC6] =	sst s2  }
0x8f: {  	_ = 	snop  }
0x90: {  	s2 =	sld [smem:$0x3FD0];
	_ =	sdelay $0x2  }
0x91: {  	s4 =	simm.s32 $0xA;
	s5 =	simm.s32 $0x10;
	s15 =	sld [smem:$0x3FC9]  }
0x92: {  	[smem:s5], [sflag:s4] =	dma.local [hbm:s2], $0x1  }
0x93: {  	_ =	swait.eq [sflag:s4], $0x1  }
0x94: {  	[sflag:s4] =	ssyncset.done $0x0  }
0x95: {  	[sflag:s4] =	ssyncadd.s32 $0xFFFFFFFF  }
0x96: {  	s16 =	sld [smem:$0x10];
	(tm) =	ssettm $0x1  }
0x97: {  	s17 =	sld [smem:$0x3FFB];
	_ =	sdelay $0x3  }
0x98: {  	_ =	strace s17  }
0x99: {  	s4 =	sld [smem:$0x3FFC];
	_ =	sdelay $0x3  }
0x9a: {  	_ =	strace s4  }
0x9b: {  	s4 =	sld [smem:$0x3FFD];
	_ =	sdelay $0x3  }
0x9c: {  	_ =	strace s4  }
0x9d: {  	_ =	strace $0x8FFFFFFF  }
0x9e: {  	s18 =	sld [smem:$0x3FDB];
	_ =	sdelay $0x1  }
0x9f: {  	s19 =	simm.s32 $_scs_section_size  }
0xa0: {  	s6 =	simm.s32 $_size__tile_overlayer_lowered;
	s7 =	simm.s32 $_tile_overlayer_lowered  }
0xa1: {  	s22 =	simm.s32 $0x1BFF;
	s21 =	sshll.u32 s7, $0x1;
	s4 =	sadd.s32 s19, s18  }
0xa2: {  	s8 =	simm.s32 $0x0;
	s20 =	sshll.u32 s6, $0x1;
	s6 =	sadd.s32 s21, s4  }
0xa3: {  	[timem:s8], [sflag:s22] =	dma.local [hbm:s6], s20  }
0xa4: {  	_ =	swait.ge [sflag:s22], s20  }
0xa5: {  	s5 =	ssub.s32 $0x0, s20;
	[sflag:s22] =	ssyncset.done $0x0  }
0xa6: {  	[sflag:s22] =	ssyncadd.s32 s5;
	_ =	sdelay $0x1  }
0xa7: {  	s23 =	simm.s32 $0x1B8B  }
0xa8: {  	_ =	swait.ge [sflag:s23], $0x1  }
0xa9: {  	[sflag:s23] =	ssyncset.done $0x0  }
0xaa: {  	s25 =	simm.s32 $0x1B8E;
	s24 =	sld [smem:$0x3FFE];
	[sflag:s23] =	ssyncadd.s32 $0xFFFFFFFF  }
0xab: {  	s26 =	simm.s32 $execute0_lowered;
	[smem:$0x3FD2] =	sst s25  }
0xac: {  	s6 =	sshll.u32 s26, $0x1;
	_ =	strace $0x80000046;
	[dreg:$0x1] =	wrdreg $0xFFFFFFFF  }
0xad: {  	s28 =	simm.s32 $_size_execute0_lowered;
	s4 =	sadd.s32 s4, s6;
	[dreg:$0x0] =	wrdreg $0x0  }
0xae: {  	s6 =	sshll.u32 s28, $0x1;
	[dreg:$0x2] =	wrdreg s4  }
0xaf: {  	[dreg:$0x3] =	wrdreg s6  }
0xb0: {  	[dreg:$0x4] =	wrdreg $0xC0  }
0xb1: {  	_ =	task [dreg:s8], $0x5FFFF  }
0xb2: {  	[dreg:$0x1] =	wrdreg $0xFFFFFFFF  }
0xb3: {  	[dreg:$0x0] =	wrdreg $0x60  }
0xb4: {  	[dreg:$0x2] =	wrdreg s15  }
0xb5: {  	[dreg:$0x3] =	wrdreg s24  }
0xb6: {  	[dreg:$0x4] =	wrdreg s16  }
0xb7: {  	[dreg:$0x5] =	wrdreg $0x9  }
0xb8: {  	_ =	task.clear_ibuf [dreg:s8], $0x6FFFF;
	_ =	strace $0x90000046  }
0xb9: {  	s29 =	simm.s32 $0x9;
	_ =	strace $0x80000048  }
0xba: {  	_ =	swait.ge [sflag:s29], $0x1  }
0xbb: {  	[sflag:s29] =	ssyncadd.s32 $0xFFFFFFFF  }
0xbc: {  	_ =	strace $0x90000048  }
0xbd: {  	_ =	sfence  }
0xbe: {  	s30 =	sld [smem:$0x0];
	_ =	sdelay $0x2  }
0xbf: {  	s31 =	sshll.u32 s1, $0xD;
	s1 =	sshrl.u32 s1, $0x2  }
0xc0: {  	s3 =	sand.u32 $0x4000, s31;
	s1 =	sadd.s32 s1, s30  }
0xc1: {  	s0 =	sor.u32 s3, s0;
	s1 =	sshll.u32 s1, $0x11  }
0xc2: {  	s0 =	sor.u32 s1, s0  }
0xc3: {  	s0 =	sadd.s32 $0x8F2B, s0  }
0xc4: {  	[sflag:s0] =	ssyncadd.remote.s32 $0x1  }
0xc5: {  	_ =	sfence.sel $0xFFFF  }
0xc6: {  	[dreg:$0x0] =	wrdreg $0xFFFFFFFF;
	(pc) =	sbr.abs _section_cstart, $3  }
0xc7: {  	[dreg:$0x1] =	wrdreg $0xFFFFFFFF  }
0xc8: {  	_ =	task.clear_ibuf [dreg:s8], $0x2FFFF;
	_ =	strace $0x9FFFFFFF  }
0xc9: {  	(tm) =	ssettm $0x7FFFFFFF  }
tec
execute0_lowered:
.L_overlay_start_1:
0x0: {  	(tag) =	ssettag $0x1  }
0x1: {  	s1 =	rddreg [dreg:$0x0];
	s0 =	srdreg.scid  }
0x2: {  	s3 =	stileid.u32;
	s2 =	rddreg [dreg:$0x1]  }
0x3: {  	s4 =	rddreg [dreg:$0x2];
	s21 =	simm.s32 $0x980;
	s22 =	simm.s32 $0x1180  }
0x4: {  	s28 =	simm.s32 $0x3980;
	s29 =	simm.s32 $0x4180;
	s30 =	simm.s32 $0x4980  }
0x5: {  	s31 =	simm.s32 $0x5180;
	s11 =	simm.s32 $0x7180;
	s12 =	simm.s32 $0x7980  }
0x6: {  	s14 =	simm.s32 $0x8980;
	s15 =	simm.s32 $0x9180;
	s13 =	simm.s32 $0xA980  }
0x7: {  	s16 =	simm.s32 $0xB180;
	s17 =	simm.s32 $0xB980;
	s18 =	simm.s32 $0xC180  }
0x8: {  	s19 =	simm.s32 $0xC980;
	s0 =	sand.u32 $0x1, s0;
	s3 =	sshll.u32 s3, $0x1  }
0x9: {  	s5 =	sor.u32 s0, s3;
	s3 =	simm.s32 $0x0;
	s0 =	ssub.s32 $0x2, s0  }
0xa: {  	s5 =	smul.u32 $0x120, s5;
	[smem:$0x7FF] =	sst s3;
	s25 =	sshrl.u32 s0, $0x1  }
0xb: {  	_ =	strace $0x80000047;
	s0 =	ssub.s32 s0, s25;
	s25 =	simm.s32 $0x2980  }
0xc: {  	s6 =	sshrl.u32 s5, $0x3;
	s7 =	sadd.s32 $0x48, s5;
	s5 =	sadd.s32 $0xD8, s5  }
0xd: {  	s2 =	sadd.s32 s6, s2;
	s6 =	smul.u32 $0x300, s6;
	s7 =	sshrl.u32 s7, $0x3  }
0xe: {  	s10 =	smax.u32 s0, $0x1;
	s2 =	sadd.s32 $0x400, s2;
	s7 =	smul.u32 $0x300, s7  }
0xf: {  	s23 =	sshrl.u32 s5, $0x3;
	[dreg:$0x4] =	wrdreg s2;
	s8 =	sadd.s32 s4, s6  }
0x10: {  	s5 =	sadd.s32 $0x100, s1;
	s24 =	sadd.s32 s4, s7;
	[dreg:$0x8] =	wrdreg s8  }
0x11: {  	s2 =	smul.u32 $0x300, s23;
	s26 =	sadd.s32 $0x3600, s8;
	[dreg:$0x5] =	wrdreg s24  }
0x12: {  	v2 =	vlaneseq.u32;
	s6 =	sadd.s32 $0x200, s1;
	s23 =	simm.s32 $0x1980;
	[dreg:$0x6] =	wrdreg s26  }
0x13: {  	vm0 =	vmmov $0xffff;
	v1 =	vshrl.u32 v2, $0x3;
	s2 =	sadd.s32 s4, s2;
	s24 =	simm.s32 $0x2180;
	s26 =	simm.s32 $0x3180  }
0x14: {  	v0 =	vand.u32 $0x7, v2;
	v2 =	vor.u32 $0x8, v2;
	v1 =	vmul.u32 $0x8, v1;
	s4 =	simm.s32 $0xD980;
	[dreg:$0x7] =	wrdreg s2;
	s2 =	simm.s32 $0x3  }
.LBB2_1:
0x15: {  	s20 =	rddreg [dreg:$0x4];
	s0 =	simm.s32 $0x5  }
0x16: {  	[tilespmem:s3], [sflag:$0x5] =	stream.linear.gather [hbm4b:s20+s3], $0x120, $0x38;
	[tilespmem:$0x1B180] =	vst v63  }
0x17: {  	_ =	swait.ge [sflag:s0], $0x120  }
0x18: {  	[sflag:s0] =	ssyncset.done $0x0  }
0x19: {  	[sflag:s0] =	ssyncadd.s32 $0xFFFFFEE0  }
0x1a: {  	v3 =	vld [tilespmem:$0x0];
	_ =	sdelay $0x4  }
0x1b: {  	v4 =	vshrl.u32 v3, $0x3  }
0x1c: {  	v4 =	vmul.u32 $0x30, v4  }
0x1d: {  	v3 =	vand.u32 $0x7, v3  }
0x1e: {  	v3 =	vor.u32 v3, v4  }
0x1f: {  	v4 =	vperm.xlane v3, v0;
	_ =	sdelay $0x1  }
0x20: {  	v4 =	vadd.s32 v1, v4;
	_ =	sdelay $0x3  }
0x21: {  	s20 =	simm.s32 $0x180;
	v3 =	vperm.xlane v3, v2  }
0x22: {  	[tilespmem:s20], [sflag:$0x1] =	stream.indirect_vreg.gather [hbm4b:s1+s3], $0x80, v4, vm0, $0xb8;
	[tilespmem:$0x1B180] =	vst v63  }
0x23: {  	v3 =	vadd.s32 v1, v3  }
0x24: {  	[tilespmem:s21], [sflag:$0x1] =	stream.indirect_vreg.gather [hbm4b:s5+s3], $0x80, v4, vm0, $0xb8;
	[tilespmem:$0x1B180] =	vst v63  }
0x25: {  	_ = 	snop  }
0x26: {  	[tilespmem:s22], [sflag:$0x1] =	stream.indirect_vreg.gather [hbm4b:s6+s3], $0x80, v4, vm0, $0xb8;
	[tilespmem:$0x1B180] =	vst v63  }
0x27: {  	_ = 	snop  }
0x28: {  	[tilespmem:s23], [sflag:$0x1] =	stream.indirect_vreg.gather [hbm4b:s1+s3], $0x80, v3, vm0, $0xb8;
	[tilespmem:$0x1B180] =	vst v63  }
0x29: {  	_ = 	snop  }
0x2a: {  	[tilespmem:s24], [sflag:$0x1] =	stream.indirect_vreg.gather [hbm4b:s5+s3], $0x80, v3, vm0, $0xb8;
	[tilespmem:$0x1B180] =	vst v63  }
0x2b: {  	_ = 	snop  }
0x2c: {  	[tilespmem:s25], [sflag:$0x1] =	stream.indirect_vreg.gather [hbm4b:s6+s3], $0x80, v3, vm0, $0xb8;
	[tilespmem:$0x1B180] =	vst v63  }
0x2d: {  	v3 =	vld [tilespmem:$0x10];
	_ =	sdelay $0x4  }
0x2e: {  	v45 =	vshrl.u32 v3, $0x3  }
0x2f: {  	v4 =	vmul.u32 $0x30, v45  }
0x30: {  	v3 =	vand.u32 $0x7, v3  }
0x31: {  	v3 =	vor.u32 v3, v4  }
0x32: {  	v4 =	vperm.xlane v3, v0;
	_ =	sdelay $0x1  }
0x33: {  	v4 =	vadd.s32 v1, v4;
	_ =	sdelay $0x3  }
0x34: {  	v3 =	vperm.xlane v3, v2  }
0x35: {  	[tilespmem:s26], [sflag:$0x1] =	stream.indirect_vreg.gather [hbm4b:s1+s3], $0x80, v4, vm0, $0xb8;
	[tilespmem:$0x1B180] =	vst v63  }
0x36: {  	v3 =	vadd.s32 v1, v3  }
0x37: {  	[tilespmem:s28], [sflag:$0x1] =	stream.indirect_vreg.gather [hbm4b:s5+s3], $0x80, v4, vm0, $0xb8;
	[tilespmem:$0x1B180] =	vst v63  }
0x38: {  	_ = 	snop  }
0x39: {  	[tilespmem:s29], [sflag:$0x1] =	stream.indirect_vreg.gather [hbm4b:s6+s3], $0x80, v4, vm0, $0xb8;
	[tilespmem:$0x1B180] =	vst v63  }
0x3a: {  	_ = 	snop  }
0x3b: {  	[tilespmem:s30], [sflag:$0x1] =	stream.indirect_vreg.gather [hbm4b:s1+s3], $0x80, v3, vm0, $0xb8;
	[tilespmem:$0x1B180] =	vst v63  }
0x3c: {  	_ = 	snop  }
0x3d: {  	[tilespmem:s31], [sflag:$0x1] =	stream.indirect_vreg.gather [hbm4b:s5+s3], $0x80, v3, vm0, $0xb8;
	[tilespmem:$0x1B180] =	vst v63  }
0x3e: {  	s7 =	simm.s32 $0x5980  }
0x3f: {  	[tilespmem:s7], [sflag:$0x1] =	stream.indirect_vreg.gather [hbm4b:s6+s3], $0x80, v3, vm0, $0xb8;
	[tilespmem:$0x1B180] =	vst v63  }
0x40: {  	v3 =	vld [tilespmem:$0x20];
	_ =	sdelay $0x4  }
0x41: {  	v46 =	vshrl.u32 v3, $0x3  }
0x42: {  	v4 =	vmul.u32 $0x30, v46  }
0x43: {  	v3 =	vand.u32 $0x7, v3  }
0x44: {  	v3 =	vor.u32 v3, v4  }
0x45: {  	v4 =	vperm.xlane v3, v0;
	_ =	sdelay $0x1  }
0x46: {  	v4 =	vadd.s32 v1, v4;
	_ =	sdelay $0x3  }
0x47: {  	s8 =	simm.s32 $0x6180;
	v3 =	vperm.xlane v3, v2  }
0x48: {  	[tilespmem:s8], [sflag:$0x1] =	stream.indirect_vreg.gather [hbm4b:s1+s3], $0x80, v4, vm0, $0xb8;
	[tilespmem:$0x1B180] =	vst v63  }
0x49: {  	s9 =	simm.s32 $0x6980;
	v3 =	vadd.s32 v1, v3  }
0x4a: {  	[tilespmem:s9], [sflag:$0x1] =	stream.indirect_vreg.gather [hbm4b:s5+s3], $0x80, v4, vm0, $0xb8;
	[tilespmem:$0x1B180] =	vst v63  }
0x4b: {  	_ = 	snop  }
0x4c: {  	[tilespmem:s11], [sflag:$0x1] =	stream.indirect_vreg.gather [hbm4b:s6+s3], $0x80, v4, vm0, $0xb8;
	[tilespmem:$0x1B180] =	vst v63  }
0x4d: {  	_ = 	snop  }
0x4e: {  	[tilespmem:s12], [sflag:$0x1] =	stream.indirect_vreg.gather [hbm4b:s1+s3], $0x80, v3, vm0, $0xb8;
	[tilespmem:$0x1B180] =	vst v63  }
0x4f: {  	s20 =	simm.s32 $0x8180  }
0x50: {  	[tilespmem:s20], [sflag:$0x1] =	stream.indirect_vreg.gather [hbm4b:s5+s3], $0x80, v3, vm0, $0xb8;
	[tilespmem:$0x1B180] =	vst v63  }
0x51: {  	_ = 	snop  }
0x52: {  	[tilespmem:s14], [sflag:$0x1] =	stream.indirect_vreg.gather [hbm4b:s6+s3], $0x80, v3, vm0, $0xb8;
	[tilespmem:$0x1B180] =	vst v63  }
0x53: {  	v3 =	vld [tilespmem:$0x30];
	_ =	sdelay $0x4  }
0x54: {  	v47 =	vshrl.u32 v3, $0x3  }
0x55: {  	v4 =	vmul.u32 $0x30, v47  }
0x56: {  	v3 =	vand.u32 $0x7, v3  }
0x57: {  	v3 =	vor.u32 v3, v4  }
0x58: {  	v4 =	vperm.xlane v3, v0;
	_ =	sdelay $0x1  }
0x59: {  	v4 =	vadd.s32 v1, v4;
	_ =	sdelay $0x3  }
0x5a: {  	v3 =	vperm.xlane v3, v2  }
0x5b: {  	[tilespmem:s15], [sflag:$0x1] =	stream.indirect_vreg.gather [hbm4b:s1+s3], $0x80, v4, vm0, $0xb8;
	[tilespmem:$0x1B180] =	vst v63  }
0x5c: {  	s8 =	simm.s32 $0x9980;
	v3 =	vadd.s32 v1, v3  }
0x5d: {  	[tilespmem:s8], [sflag:$0x1] =	stream.indirect_vreg.gather [hbm4b:s5+s3], $0x80, v4, vm0, $0xb8;
	[tilespmem:$0x1B180] =	vst v63  }
0x5e: {  	s9 =	simm.s32 $0xA180  }
0x5f: {  	[tilespmem:s9], [sflag:$0x1] =	stream.indirect_vreg.gather [hbm4b:s6+s3], $0x80, v4, vm0, $0xb8;
	[tilespmem:$0x1B180] =	vst v63  }
0x60: {  	_ = 	snop  }
0x61: {  	[tilespmem:s13], [sflag:$0x1] =	stream.indirect_vreg.gather [hbm4b:s1+s3], $0x80, v3, vm0, $0xb8;
	[tilespmem:$0x1B180] =	vst v63  }
0x62: {  	_ = 	snop  }
0x63: {  	[tilespmem:s16], [sflag:$0x1] =	stream.indirect_vreg.gather [hbm4b:s5+s3], $0x80, v3, vm0, $0xb8;
	[tilespmem:$0x1B180] =	vst v63  }
0x64: {  	_ = 	snop  }
0x65: {  	[tilespmem:s17], [sflag:$0x1] =	stream.indirect_vreg.gather [hbm4b:s6+s3], $0x80, v3, vm0, $0xb8;
	[tilespmem:$0x1B180] =	vst v63  }
0x66: {  	v3 =	vld.msk [tilespmem:$0x40], $0xff;
	_ =	sdelay $0x4  }
0x67: {  	v48 =	vshrl.u32 v3, $0x3  }
0x68: {  	v4 =	vmul.u32 $0x30, v48  }
0x69: {  	v3 =	vand.u32 $0x7, v3  }
0x6a: {  	v3 =	vor.u32 v3, v4  }
0x6b: {  	v3 =	vperm.xlane v3, v0;
	_ =	sdelay $0x1  }
0x6c: {  	v3 =	vadd.s32 v1, v3;
	_ =	sdelay $0x4  }
0x6d: {  	[tilespmem:s18], [sflag:$0x1] =	stream.indirect_vreg.gather [hbm4b:s1+s3], $0x80, v3, vm0, $0xb8;
	[tilespmem:$0x1B180] =	vst v63  }
0x6e: {  	_ = 	snop  }
0x6f: {  	[tilespmem:s19], [sflag:$0x1] =	stream.indirect_vreg.gather [hbm4b:s5+s3], $0x80, v3, vm0, $0xb8;
	[tilespmem:$0x1B180] =	vst v63  }
0x70: {  	s7 =	simm.s32 $0xD180  }
0x71: {  	[tilespmem:s7], [sflag:$0x1] =	stream.indirect_vreg.gather [hbm4b:s6+s3], $0x80, v3, vm0, $0xb8;
	[tilespmem:$0x1B180] =	vst v63  }
0x72: {  	v3 =	vld [tilespmem:$0x48];
	_ =	sdelay $0x4  }
0x73: {  	v49 =	vshrl.u32 v3, $0x3  }
0x74: {  	v4 =	vmul.u32 $0x30, v49  }
0x75: {  	v3 =	vand.u32 $0x7, v3  }
0x76: {  	v3 =	vor.u32 v3, v4  }
0x77: {  	v4 =	vperm.xlane v3, v0;
	_ =	sdelay $0x1  }
0x78: {  	v4 =	vadd.s32 v1, v4;
	_ =	sdelay $0x3  }
0x79: {  	v3 =	vperm.xlane v3, v2  }
0x7a: {  	[tilespmem:s4], [sflag:$0x2] =	stream.indirect_vreg.gather [hbm4b:s1+s3], $0x80, v4, vm0, $0xb8;
	[tilespmem:$0x1B180] =	vst v63  }
0x7b: {  	s20 =	simm.s32 $0xE180;
	v3 =	vadd.s32 v1, v3  }
0x7c: {  	[tilespmem:s20], [sflag:$0x2] =	stream.indirect_vreg.gather [hbm4b:s5+s3], $0x80, v4, vm0, $0xb8;
	[tilespmem:$0x1B180] =	vst v63  }
0x7d: {  	s7 =	simm.s32 $0xE980  }
0x7e: {  	[tilespmem:s7], [sflag:$0x2] =	stream.indirect_vreg.gather [hbm4b:s6+s3], $0x80, v4, vm0, $0xb8;
	[tilespmem:$0x1B180] =	vst v63  }
0x7f: {  	s20 =	simm.s32 $0xF180  }
0x80: {  	[tilespmem:s20], [sflag:$0x2] =	stream.indirect_vreg.gather [hbm4b:s1+s3], $0x80, v3, vm0, $0xb8;
	[tilespmem:$0x1B180] =	vst v63  }
0x81: {  	s7 =	simm.s32 $0xF980  }
0x82: {  	[tilespmem:s7], [sflag:$0x2] =	stream.indirect_vreg.gather [hbm4b:s5+s3], $0x80, v3, vm0, $0xb8;
	[tilespmem:$0x1B180] =	vst v63  }
0x83: {  	s20 =	simm.s32 $0x10180  }
0x84: {  	[tilespmem:s20], [sflag:$0x2] =	stream.indirect_vreg.gather [hbm4b:s6+s3], $0x80, v3, vm0, $0xb8;
	[tilespmem:$0x1B180] =	vst v63  }
0x85: {  	v3 =	vld [tilespmem:$0x58];
	_ =	sdelay $0x4  }
0x86: {  	v50 =	vshrl.u32 v3, $0x3  }
0x87: {  	v4 =	vmul.u32 $0x30, v50  }
0x88: {  	v3 =	vand.u32 $0x7, v3  }
0x89: {  	v3 =	vor.u32 v3, v4  }
0x8a: {  	v4 =	vperm.xlane v3, v0;
	_ =	sdelay $0x1  }
0x8b: {  	v4 =	vadd.s32 v1, v4;
	_ =	sdelay $0x3  }
0x8c: {  	s7 =	simm.s32 $0x10980;
	v3 =	vperm.xlane v3, v2  }
0x8d: {  	[tilespmem:s7], [sflag:$0x2] =	stream.indirect_vreg.gather [hbm4b:s1+s3], $0x80, v4, vm0, $0xb8;
	[tilespmem:$0x1B180] =	vst v63  }
0x8e: {  	s20 =	simm.s32 $0x11180;
	v3 =	vadd.s32 v1, v3  }
0x8f: {  	[tilespmem:s20], [sflag:$0x2] =	stream.indirect_vreg.gather [hbm4b:s5+s3], $0x80, v4, vm0, $0xb8;
	[tilespmem:$0x1B180] =	vst v63  }
0x90: {  	s7 =	simm.s32 $0x11980  }
0x91: {  	[tilespmem:s7], [sflag:$0x2] =	stream.indirect_vreg.gather [hbm4b:s6+s3], $0x80, v4, vm0, $0xb8;
	[tilespmem:$0x1B180] =	vst v63  }
0x92: {  	s20 =	simm.s32 $0x12180  }
0x93: {  	[tilespmem:s20], [sflag:$0x2] =	stream.indirect_vreg.gather [hbm4b:s1+s3], $0x80, v3, vm0, $0xb8;
	[tilespmem:$0x1B180] =	vst v63  }
0x94: {  	s7 =	simm.s32 $0x12980  }
0x95: {  	[tilespmem:s7], [sflag:$0x2] =	stream.indirect_vreg.gather [hbm4b:s5+s3], $0x80, v3, vm0, $0xb8;
	[tilespmem:$0x1B180] =	vst v63  }
0x96: {  	s20 =	simm.s32 $0x13180  }
0x97: {  	[tilespmem:s20], [sflag:$0x2] =	stream.indirect_vreg.gather [hbm4b:s6+s3], $0x80, v3, vm0, $0xb8;
	[tilespmem:$0x1B180] =	vst v63  }
0x98: {  	v3 =	vld [tilespmem:$0x68];
	_ =	sdelay $0x4  }
0x99: {  	v51 =	vshrl.u32 v3, $0x3  }
0x9a: {  	v4 =	vmul.u32 $0x30, v51  }
0x9b: {  	v3 =	vand.u32 $0x7, v3  }
0x9c: {  	v3 =	vor.u32 v3, v4  }
0x9d: {  	v4 =	vperm.xlane v3, v0;
	_ =	sdelay $0x1  }
0x9e: {  	v4 =	vadd.s32 v1, v4;
	_ =	sdelay $0x3  }
0x9f: {  	s7 =	simm.s32 $0x13980;
	v3 =	vperm.xlane v3, v2  }
0xa0: {  	[tilespmem:s7], [sflag:$0x2] =	stream.indirect_vreg.gather [hbm4b:s1+s3], $0x80, v4, vm0, $0xb8;
	[tilespmem:$0x1B180] =	vst v63  }
0xa1: {  	s20 =	simm.s32 $0x14180;
	v3 =	vadd.s32 v1, v3  }
0xa2: {  	[tilespmem:s20], [sflag:$0x2] =	stream.indirect_vreg.gather [hbm4b:s5+s3], $0x80, v4, vm0, $0xb8;
	[tilespmem:$0x1B180] =	vst v63  }
0xa3: {  	s7 =	simm.s32 $0x14980  }
0xa4: {  	[tilespmem:s7], [sflag:$0x2] =	stream.indirect_vreg.gather [hbm4b:s6+s3], $0x80, v4, vm0, $0xb8;
	[tilespmem:$0x1B180] =	vst v63  }
0xa5: {  	s20 =	simm.s32 $0x15180  }
0xa6: {  	[tilespmem:s20], [sflag:$0x2] =	stream.indirect_vreg.gather [hbm4b:s1+s3], $0x80, v3, vm0, $0xb8;
	[tilespmem:$0x1B180] =	vst v63  }
0xa7: {  	s7 =	simm.s32 $0x15980  }
0xa8: {  	[tilespmem:s7], [sflag:$0x2] =	stream.indirect_vreg.gather [hbm4b:s5+s3], $0x80, v3, vm0, $0xb8;
	[tilespmem:$0x1B180] =	vst v63  }
0xa9: {  	s20 =	simm.s32 $0x16180  }
0xaa: {  	[tilespmem:s20], [sflag:$0x2] =	stream.indirect_vreg.gather [hbm4b:s6+s3], $0x80, v3, vm0, $0xb8;
	[tilespmem:$0x1B180] =	vst v63  }
0xab: {  	v3 =	vld [tilespmem:$0x78];
	_ =	sdelay $0x4  }
0xac: {  	v52 =	vshrl.u32 v3, $0x3  }
0xad: {  	v4 =	vmul.u32 $0x30, v52  }
0xae: {  	v3 =	vand.u32 $0x7, v3  }
0xaf: {  	v3 =	vor.u32 v3, v4  }
0xb0: {  	v4 =	vperm.xlane v3, v0;
	_ =	sdelay $0x1  }
0xb1: {  	v4 =	vadd.s32 v1, v4;
	_ =	sdelay $0x3  }
0xb2: {  	s7 =	simm.s32 $0x16980;
	v3 =	vperm.xlane v3, v2  }
0xb3: {  	[tilespmem:s7], [sflag:$0x2] =	stream.indirect_vreg.gather [hbm4b:s1+s3], $0x80, v4, vm0, $0xb8;
	[tilespmem:$0x1B180] =	vst v63  }
0xb4: {  	s20 =	simm.s32 $0x17180;
	v3 =	vadd.s32 v1, v3  }
0xb5: {  	[tilespmem:s20], [sflag:$0x2] =	stream.indirect_vreg.gather [hbm4b:s5+s3], $0x80, v4, vm0, $0xb8;
	[tilespmem:$0x1B180] =	vst v63  }
0xb6: {  	s7 =	simm.s32 $0x17980  }
0xb7: {  	[tilespmem:s7], [sflag:$0x2] =	stream.indirect_vreg.gather [hbm4b:s6+s3], $0x80, v4, vm0, $0xb8;
	[tilespmem:$0x1B180] =	vst v63  }
0xb8: {  	s20 =	simm.s32 $0x18180  }
0xb9: {  	[tilespmem:s20], [sflag:$0x2] =	stream.indirect_vreg.gather [hbm4b:s1+s3], $0x80, v3, vm0, $0xb8;
	[tilespmem:$0x1B180] =	vst v63  }
0xba: {  	s7 =	simm.s32 $0x18980  }
0xbb: {  	[tilespmem:s7], [sflag:$0x2] =	stream.indirect_vreg.gather [hbm4b:s5+s3], $0x80, v3, vm0, $0xb8;
	[tilespmem:$0x1B180] =	vst v63  }
0xbc: {  	s20 =	simm.s32 $0x19180  }
0xbd: {  	[tilespmem:s20], [sflag:$0x2] =	stream.indirect_vreg.gather [hbm4b:s6+s3], $0x80, v3, vm0, $0xb8;
	[tilespmem:$0x1B180] =	vst v63  }
0xbe: {  	v3 =	vld.msk [tilespmem:$0x88], $0xff;
	_ =	sdelay $0x4  }
0xbf: {  	v53 =	vshrl.u32 v3, $0x3  }
0xc0: {  	v4 =	vmul.u32 $0x30, v53  }
0xc1: {  	v3 =	vand.u32 $0x7, v3  }
0xc2: {  	v3 =	vor.u32 v3, v4  }
0xc3: {  	v3 =	vperm.xlane v3, v0;
	_ =	sdelay $0x1  }
0xc4: {  	v3 =	vadd.s32 v1, v3;
	_ =	sdelay $0x3  }
0xc5: {  	s7 =	simm.s32 $0x19980  }
0xc6: {  	[tilespmem:s7], [sflag:$0x2] =	stream.indirect_vreg.gather [hbm4b:s1+s3], $0x80, v3, vm0, $0xb8;
	[tilespmem:$0x1B180] =	vst v63  }
0xc7: {  	s20 =	simm.s32 $0x1A180  }
0xc8: {  	[tilespmem:s20], [sflag:$0x2] =	stream.indirect_vreg.gather [hbm4b:s5+s3], $0x80, v3, vm0, $0xb8;
	[tilespmem:$0x1B180] =	vst v63  }
0xc9: {  	s0 =	simm.s32 $0x1;
	s7 =	simm.s32 $0x1A980  }
0xca: {  	[tilespmem:s7], [sflag:$0x2] =	stream.indirect_vreg.gather [hbm4b:s6+s3], $0x80, v3, vm0, $0xb8;
	[tilespmem:$0x1B180] =	vst v63  }
0xcb: {  	_ =	swait.ge [sflag:s0], $0xD800  }
0xcc: {  	[sflag:s0] =	ssyncset.done $0x0  }
0xcd: {  	s7 =	simm.s32 $0x180;
	s20 =	rddreg [dreg:$0x8];
	[sflag:s0] =	ssyncadd.s32 $0xFFFF2800  }
0xce: {  	[hbm4b:s20+s3] =	stream.linear.scatter [tilespmem:s7], [sflag:$0x3], $0xD800, $0x38;
	[tilespmem:$0x1B180] =	vst v63  }
0xcf: {  	_ =	swait.ge [sflag:s2], $0xD800  }
0xd0: {  	[sflag:s2] =	ssyncset.done $0x0  }
0xd1: {  	[sflag:s2] =	ssyncadd.s32 $0xFFFF2800  }
0xd2: {  	v3 =	vld [tilespmem:$0x90];
	_ =	sdelay $0x4  }
0xd3: {  	v54 =	vshrl.u32 v3, $0x3  }
0xd4: {  	v4 =	vmul.u32 $0x30, v54  }
0xd5: {  	v3 =	vand.u32 $0x7, v3  }
0xd6: {  	v3 =	vor.u32 v3, v4  }
0xd7: {  	v4 =	vperm.xlane v3, v0;
	_ =	sdelay $0x1  }
0xd8: {  	v4 =	vadd.s32 v1, v4;
	_ =	sdelay $0x3  }
0xd9: {  	v3 =	vperm.xlane v3, v2  }
0xda: {  	[tilespmem:s7], [sflag:$0x1] =	stream.indirect_vreg.gather [hbm4b:s1+s3], $0x80, v4, vm0, $0xb8;
	[tilespmem:$0x1B180] =	vst v63  }
0xdb: {  	v3 =	vadd.s32 v1, v3  }
0xdc: {  	[tilespmem:s21], [sflag:$0x1] =	stream.indirect_vreg.gather [hbm4b:s5+s3], $0x80, v4, vm0, $0xb8;
	[tilespmem:$0x1B180] =	vst v63  }
0xdd: {  	_ = 	snop  }
0xde: {  	[tilespmem:s22], [sflag:$0x1] =	stream.indirect_vreg.gather [hbm4b:s6+s3], $0x80, v4, vm0, $0xb8;
	[tilespmem:$0x1B180] =	vst v63  }
0xdf: {  	_ = 	snop  }
0xe0: {  	[tilespmem:s23], [sflag:$0x1] =	stream.indirect_vreg.gather [hbm4b:s1+s3], $0x80, v3, vm0, $0xb8;
	[tilespmem:$0x1B180] =	vst v63  }
0xe1: {  	_ = 	snop  }
0xe2: {  	[tilespmem:s24], [sflag:$0x1] =	stream.indirect_vreg.gather [hbm4b:s5+s3], $0x80, v3, vm0, $0xb8;
	[tilespmem:$0x1B180] =	vst v63  }
0xe3: {  	_ = 	snop  }
0xe4: {  	[tilespmem:s25], [sflag:$0x1] =	stream.indirect_vreg.gather [hbm4b:s6+s3], $0x80, v3, vm0, $0xb8;
	[tilespmem:$0x1B180] =	vst v63  }
0xe5: {  	v3 =	vld [tilespmem:$0xA0];
	_ =	sdelay $0x4  }
0xe6: {  	v55 =	vshrl.u32 v3, $0x3  }
0xe7: {  	v4 =	vmul.u32 $0x30, v55  }
0xe8: {  	v3 =	vand.u32 $0x7, v3  }
0xe9: {  	v3 =	vor.u32 v3, v4  }
0xea: {  	v4 =	vperm.xlane v3, v0;
	_ =	sdelay $0x1  }
0xeb: {  	v4 =	vadd.s32 v1, v4;
	_ =	sdelay $0x3  }
0xec: {  	v3 =	vperm.xlane v3, v2  }
0xed: {  	[tilespmem:s26], [sflag:$0x1] =	stream.indirect_vreg.gather [hbm4b:s1+s3], $0x80, v4, vm0, $0xb8;
	[tilespmem:$0x1B180] =	vst v63  }
0xee: {  	v3 =	vadd.s32 v1, v3  }
0xef: {  	[tilespmem:s28], [sflag:$0x1] =	stream.indirect_vreg.gather [hbm4b:s5+s3], $0x80, v4, vm0, $0xb8;
	[tilespmem:$0x1B180] =	vst v63  }
0xf0: {  	_ = 	snop  }
0xf1: {  	[tilespmem:s29], [sflag:$0x1] =	stream.indirect_vreg.gather [hbm4b:s6+s3], $0x80, v4, vm0, $0xb8;
	[tilespmem:$0x1B180] =	vst v63  }
0xf2: {  	_ = 	snop  }
0xf3: {  	[tilespmem:s30], [sflag:$0x1] =	stream.indirect_vreg.gather [hbm4b:s1+s3], $0x80, v3, vm0, $0xb8;
	[tilespmem:$0x1B180] =	vst v63  }
0xf4: {  	_ = 	snop  }
0xf5: {  	[tilespmem:s31], [sflag:$0x1] =	stream.indirect_vreg.gather [hbm4b:s5+s3], $0x80, v3, vm0, $0xb8;
	[tilespmem:$0x1B180] =	vst v63  }
0xf6: {  	s20 =	simm.s32 $0x5980  }
0xf7: {  	[tilespmem:s20], [sflag:$0x1] =	stream.indirect_vreg.gather [hbm4b:s6+s3], $0x80, v3, vm0, $0xb8;
	[tilespmem:$0x1B180] =	vst v63  }
0xf8: {  	v3 =	vld [tilespmem:$0xB0];
	_ =	sdelay $0x4  }
0xf9: {  	v56 =	vshrl.u32 v3, $0x3  }
0xfa: {  	v4 =	vmul.u32 $0x30, v56  }
0xfb: {  	v3 =	vand.u32 $0x7, v3  }
0xfc: {  	v3 =	vor.u32 v3, v4  }
0xfd: {  	v4 =	vperm.xlane v3, v0;
	_ =	sdelay $0x1  }
0xfe: {  	v4 =	vadd.s32 v1, v4;
	_ =	sdelay $0x3  }
0xff: {  	s20 =	simm.s32 $0x6180;
	v3 =	vperm.xlane v3, v2  }
0x100: {  	[tilespmem:s20], [sflag:$0x1] =	stream.indirect_vreg.gather [hbm4b:s1+s3], $0x80, v4, vm0, $0xb8;
	[tilespmem:$0x1B180] =	vst v63  }
0x101: {  	v3 =	vadd.s32 v1, v3;
	s20 =	simm.s32 $0x6980  }
0x102: {  	[tilespmem:s20], [sflag:$0x1] =	stream.indirect_vreg.gather [hbm4b:s5+s3], $0x80, v4, vm0, $0xb8;
	[tilespmem:$0x1B180] =	vst v63  }
0x103: {  	_ = 	snop  }
0x104: {  	[tilespmem:s11], [sflag:$0x1] =	stream.indirect_vreg.gather [hbm4b:s6+s3], $0x80, v4, vm0, $0xb8;
	[tilespmem:$0x1B180] =	vst v63  }
0x105: {  	_ = 	snop  }
0x106: {  	[tilespmem:s12], [sflag:$0x1] =	stream.indirect_vreg.gather [hbm4b:s1+s3], $0x80, v3, vm0, $0xb8;
	[tilespmem:$0x1B180] =	vst v63  }
0x107: {  	s20 =	simm.s32 $0x8180  }
0x108: {  	[tilespmem:s20], [sflag:$0x1] =	stream.indirect_vreg.gather [hbm4b:s5+s3], $0x80, v3, vm0, $0xb8;
	[tilespmem:$0x1B180] =	vst v63  }
0x109: {  	_ = 	snop  }
0x10a: {  	[tilespmem:s14], [sflag:$0x1] =	stream.indirect_vreg.gather [hbm4b:s6+s3], $0x80, v3, vm0, $0xb8;
	[tilespmem:$0x1B180] =	vst v63  }
0x10b: {  	v3 =	vld [tilespmem:$0xC0];
	_ =	sdelay $0x4  }
0x10c: {  	v57 =	vshrl.u32 v3, $0x3  }
0x10d: {  	v4 =	vmul.u32 $0x30, v57  }
0x10e: {  	v3 =	vand.u32 $0x7, v3  }
0x10f: {  	v3 =	vor.u32 v3, v4  }
0x110: {  	v4 =	vperm.xlane v3, v0;
	_ =	sdelay $0x1  }
0x111: {  	v4 =	vadd.s32 v1, v4;
	_ =	sdelay $0x3  }
0x112: {  	v3 =	vperm.xlane v3, v2  }
0x113: {  	[tilespmem:s15], [sflag:$0x1] =	stream.indirect_vreg.gather [hbm4b:s1+s3], $0x80, v4, vm0, $0xb8;
	[tilespmem:$0x1B180] =	vst v63  }
0x114: {  	v3 =	vadd.s32 v1, v3  }
0x115: {  	[tilespmem:s8], [sflag:$0x1] =	stream.indirect_vreg.gather [hbm4b:s5+s3], $0x80, v4, vm0, $0xb8;
	[tilespmem:$0x1B180] =	vst v63  }
0x116: {  	_ = 	snop  }
0x117: {  	[tilespmem:s9], [sflag:$0x1] =	stream.indirect_vreg.gather [hbm4b:s6+s3], $0x80, v4, vm0, $0xb8;
	[tilespmem:$0x1B180] =	vst v63  }
0x118: {  	_ = 	snop  }
0x119: {  	[tilespmem:s13], [sflag:$0x1] =	stream.indirect_vreg.gather [hbm4b:s1+s3], $0x80, v3, vm0, $0xb8;
	[tilespmem:$0x1B180] =	vst v63  }
0x11a: {  	_ = 	snop  }
0x11b: {  	[tilespmem:s16], [sflag:$0x1] =	stream.indirect_vreg.gather [hbm4b:s5+s3], $0x80, v3, vm0, $0xb8;
	[tilespmem:$0x1B180] =	vst v63  }
0x11c: {  	_ = 	snop  }
0x11d: {  	[tilespmem:s17], [sflag:$0x1] =	stream.indirect_vreg.gather [hbm4b:s6+s3], $0x80, v3, vm0, $0xb8;
	[tilespmem:$0x1B180] =	vst v63  }
0x11e: {  	v3 =	vld.msk [tilespmem:$0xD0], $0xff;
	_ =	sdelay $0x4  }
0x11f: {  	v58 =	vshrl.u32 v3, $0x3  }
0x120: {  	v4 =	vmul.u32 $0x30, v58  }
0x121: {  	v3 =	vand.u32 $0x7, v3  }
0x122: {  	v3 =	vor.u32 v3, v4  }
0x123: {  	v3 =	vperm.xlane v3, v0;
	_ =	sdelay $0x1  }
0x124: {  	v3 =	vadd.s32 v1, v3;
	_ =	sdelay $0x4  }
0x125: {  	[tilespmem:s18], [sflag:$0x1] =	stream.indirect_vreg.gather [hbm4b:s1+s3], $0x80, v3, vm0, $0xb8;
	[tilespmem:$0x1B180] =	vst v63  }
0x126: {  	_ = 	snop  }
0x127: {  	[tilespmem:s19], [sflag:$0x1] =	stream.indirect_vreg.gather [hbm4b:s5+s3], $0x80, v3, vm0, $0xb8;
	[tilespmem:$0x1B180] =	vst v63  }
0x128: {  	s8 =	simm.s32 $0xD180  }
0x129: {  	[tilespmem:s8], [sflag:$0x1] =	stream.indirect_vreg.gather [hbm4b:s6+s3], $0x80, v3, vm0, $0xb8;
	[tilespmem:$0x1B180] =	vst v63  }
0x12a: {  	s8 =	simm.s32 $0x2  }
0x12b: {  	_ =	swait.ge [sflag:s8], $0xD800  }
0x12c: {  	[sflag:s8] =	ssyncset.done $0x0  }
0x12d: {  	s9 =	rddreg [dreg:$0x5];
	[sflag:s8] =	ssyncadd.s32 $0xFFFF2800  }
0x12e: {  	[hbm4b:s9+s3] =	stream.linear.scatter [tilespmem:s4], [sflag:$0x4], $0xD800, $0x38;
	[tilespmem:$0x1B180] =	vst v63  }
0x12f: {  	s9 =	simm.s32 $0x4  }
0x130: {  	_ =	swait.ge [sflag:s9], $0xD800  }
0x131: {  	[sflag:s9] =	ssyncset.done $0x0  }
0x132: {  	[sflag:s9] =	ssyncadd.s32 $0xFFFF2800  }
0x133: {  	v3 =	vld [tilespmem:$0xD8];
	_ =	sdelay $0x4  }
0x134: {  	v59 =	vshrl.u32 v3, $0x3  }
0x135: {  	v4 =	vmul.u32 $0x30, v59  }
0x136: {  	v3 =	vand.u32 $0x7, v3  }
0x137: {  	v3 =	vor.u32 v3, v4  }
0x138: {  	v4 =	vperm.xlane v3, v0;
	_ =	sdelay $0x1  }
0x139: {  	v4 =	vadd.s32 v1, v4;
	_ =	sdelay $0x3  }
0x13a: {  	v3 =	vperm.xlane v3, v2  }
0x13b: {  	[tilespmem:s4], [sflag:$0x2] =	stream.indirect_vreg.gather [hbm4b:s1+s3], $0x80, v4, vm0, $0xb8;
	[tilespmem:$0x1B180] =	vst v63  }
0x13c: {  	s20 =	simm.s32 $0xE180;
	v3 =	vadd.s32 v1, v3  }
0x13d: {  	[tilespmem:s20], [sflag:$0x2] =	stream.indirect_vreg.gather [hbm4b:s5+s3], $0x80, v4, vm0, $0xb8;
	[tilespmem:$0x1B180] =	vst v63  }
0x13e: {  	s20 =	simm.s32 $0xE980  }
0x13f: {  	[tilespmem:s20], [sflag:$0x2] =	stream.indirect_vreg.gather [hbm4b:s6+s3], $0x80, v4, vm0, $0xb8;
	[tilespmem:$0x1B180] =	vst v63  }
0x140: {  	s20 =	simm.s32 $0xF180  }
0x141: {  	[tilespmem:s20], [sflag:$0x2] =	stream.indirect_vreg.gather [hbm4b:s1+s3], $0x80, v3, vm0, $0xb8;
	[tilespmem:$0x1B180] =	vst v63  }
0x142: {  	s20 =	simm.s32 $0xF980  }
0x143: {  	[tilespmem:s20], [sflag:$0x2] =	stream.indirect_vreg.gather [hbm4b:s5+s3], $0x80, v3, vm0, $0xb8;
	[tilespmem:$0x1B180] =	vst v63  }
0x144: {  	s20 =	simm.s32 $0x10180  }
0x145: {  	[tilespmem:s20], [sflag:$0x2] =	stream.indirect_vreg.gather [hbm4b:s6+s3], $0x80, v3, vm0, $0xb8;
	[tilespmem:$0x1B180] =	vst v63  }
0x146: {  	v3 =	vld [tilespmem:$0xE8];
	_ =	sdelay $0x4  }
0x147: {  	v60 =	vshrl.u32 v3, $0x3  }
0x148: {  	v4 =	vmul.u32 $0x30, v60  }
0x149: {  	v3 =	vand.u32 $0x7, v3  }
0x14a: {  	v3 =	vor.u32 v3, v4  }
0x14b: {  	v4 =	vperm.xlane v3, v0;
	_ =	sdelay $0x1  }
0x14c: {  	v4 =	vadd.s32 v1, v4;
	_ =	sdelay $0x3  }
0x14d: {  	s20 =	simm.s32 $0x10980;
	v3 =	vperm.xlane v3, v2  }
0x14e: {  	[tilespmem:s20], [sflag:$0x2] =	stream.indirect_vreg.gather [hbm4b:s1+s3], $0x80, v4, vm0, $0xb8;
	[tilespmem:$0x1B180] =	vst v63  }
0x14f: {  	v3 =	vadd.s32 v1, v3;
	s20 =	simm.s32 $0x11180  }
0x150: {  	[tilespmem:s20], [sflag:$0x2] =	stream.indirect_vreg.gather [hbm4b:s5+s3], $0x80, v4, vm0, $0xb8;
	[tilespmem:$0x1B180] =	vst v63  }
0x151: {  	s20 =	simm.s32 $0x11980  }
0x152: {  	[tilespmem:s20], [sflag:$0x2] =	stream.indirect_vreg.gather [hbm4b:s6+s3], $0x80, v4, vm0, $0xb8;
	[tilespmem:$0x1B180] =	vst v63  }
0x153: {  	s20 =	simm.s32 $0x12180  }
0x154: {  	[tilespmem:s20], [sflag:$0x2] =	stream.indirect_vreg.gather [hbm4b:s1+s3], $0x80, v3, vm0, $0xb8;
	[tilespmem:$0x1B180] =	vst v63  }
0x155: {  	s20 =	simm.s32 $0x12980  }
0x156: {  	[tilespmem:s20], [sflag:$0x2] =	stream.indirect_vreg.gather [hbm4b:s5+s3], $0x80, v3, vm0, $0xb8;
	[tilespmem:$0x1B180] =	vst v63  }
0x157: {  	s20 =	simm.s32 $0x13180  }
0x158: {  	[tilespmem:s20], [sflag:$0x2] =	stream.indirect_vreg.gather [hbm4b:s6+s3], $0x80, v3, vm0, $0xb8;
	[tilespmem:$0x1B180] =	vst v63  }
0x159: {  	v3 =	vld [tilespmem:$0xF8];
	_ =	sdelay $0x4  }
0x15a: {  	v61 =	vshrl.u32 v3, $0x3  }
0x15b: {  	v4 =	vmul.u32 $0x30, v61  }
0x15c: {  	v3 =	vand.u32 $0x7, v3  }
0x15d: {  	v3 =	vor.u32 v3, v4  }
0x15e: {  	v4 =	vperm.xlane v3, v0;
	_ =	sdelay $0x1  }
0x15f: {  	v4 =	vadd.s32 v1, v4;
	_ =	sdelay $0x3  }
0x160: {  	s20 =	simm.s32 $0x13980;
	v3 =	vperm.xlane v3, v2  }
0x161: {  	[tilespmem:s20], [sflag:$0x2] =	stream.indirect_vreg.gather [hbm4b:s1+s3], $0x80, v4, vm0, $0xb8;
	[tilespmem:$0x1B180] =	vst v63  }
0x162: {  	v3 =	vadd.s32 v1, v3;
	s20 =	simm.s32 $0x14180  }
0x163: {  	[tilespmem:s20], [sflag:$0x2] =	stream.indirect_vreg.gather [hbm4b:s5+s3], $0x80, v4, vm0, $0xb8;
	[tilespmem:$0x1B180] =	vst v63  }
0x164: {  	s20 =	simm.s32 $0x14980  }
0x165: {  	[tilespmem:s20], [sflag:$0x2] =	stream.indirect_vreg.gather [hbm4b:s6+s3], $0x80, v4, vm0, $0xb8;
	[tilespmem:$0x1B180] =	vst v63  }
0x166: {  	s20 =	simm.s32 $0x15180  }
0x167: {  	[tilespmem:s20], [sflag:$0x2] =	stream.indirect_vreg.gather [hbm4b:s1+s3], $0x80, v3, vm0, $0xb8;
	[tilespmem:$0x1B180] =	vst v63  }
0x168: {  	s20 =	simm.s32 $0x15980  }
0x169: {  	[tilespmem:s20], [sflag:$0x2] =	stream.indirect_vreg.gather [hbm4b:s5+s3], $0x80, v3, vm0, $0xb8;
	[tilespmem:$0x1B180] =	vst v63  }
0x16a: {  	s20 =	simm.s32 $0x16180  }
0x16b: {  	[tilespmem:s20], [sflag:$0x2] =	stream.indirect_vreg.gather [hbm4b:s6+s3], $0x80, v3, vm0, $0xb8;
	[tilespmem:$0x1B180] =	vst v63  }
0x16c: {  	v3 =	vld [tilespmem:$0x108];
	_ =	sdelay $0x4  }
0x16d: {  	v62 =	vshrl.u32 v3, $0x3  }
0x16e: {  	v4 =	vmul.u32 $0x30, v62  }
0x16f: {  	v3 =	vand.u32 $0x7, v3  }
0x170: {  	v3 =	vor.u32 v3, v4  }
0x171: {  	v4 =	vperm.xlane v3, v0;
	_ =	sdelay $0x1  }
0x172: {  	v4 =	vadd.s32 v1, v4;
	_ =	sdelay $0x3  }
0x173: {  	s20 =	simm.s32 $0x16980;
	v3 =	vperm.xlane v3, v2  }
0x174: {  	[tilespmem:s20], [sflag:$0x2] =	stream.indirect_vreg.gather [hbm4b:s1+s3], $0x80, v4, vm0, $0xb8;
	[tilespmem:$0x1B180] =	vst v63  }
0x175: {  	v3 =	vadd.s32 v1, v3;
	s20 =	simm.s32 $0x17180  }
0x176: {  	[tilespmem:s20], [sflag:$0x2] =	stream.indirect_vreg.gather [hbm4b:s5+s3], $0x80, v4, vm0, $0xb8;
	[tilespmem:$0x1B180] =	vst v63  }
0x177: {  	s20 =	simm.s32 $0x17980  }
0x178: {  	[tilespmem:s20], [sflag:$0x2] =	stream.indirect_vreg.gather [hbm4b:s6+s3], $0x80, v4, vm0, $0xb8;
	[tilespmem:$0x1B180] =	vst v63  }
0x179: {  	s20 =	simm.s32 $0x18180  }
0x17a: {  	[tilespmem:s20], [sflag:$0x2] =	stream.indirect_vreg.gather [hbm4b:s1+s3], $0x80, v3, vm0, $0xb8;
	[tilespmem:$0x1B180] =	vst v63  }
0x17b: {  	s20 =	simm.s32 $0x18980  }
0x17c: {  	[tilespmem:s20], [sflag:$0x2] =	stream.indirect_vreg.gather [hbm4b:s5+s3], $0x80, v3, vm0, $0xb8;
	[tilespmem:$0x1B180] =	vst v63  }
0x17d: {  	s20 =	simm.s32 $0x19180  }
0x17e: {  	[tilespmem:s20], [sflag:$0x2] =	stream.indirect_vreg.gather [hbm4b:s6+s3], $0x80, v3, vm0, $0xb8;
	[tilespmem:$0x1B180] =	vst v63  }
0x17f: {  	v3 =	vld.msk [tilespmem:$0x118], $0xff;
	_ =	sdelay $0x4  }
0x180: {  	v63 =	vshrl.u32 v3, $0x3  }
0x181: {  	v4 =	vmul.u32 $0x30, v63  }
0x182: {  	v3 =	vand.u32 $0x7, v3  }
0x183: {  	v3 =	vor.u32 v3, v4  }
0x184: {  	v3 =	vperm.xlane v3, v0;
	_ =	sdelay $0x1  }
0x185: {  	v3 =	vadd.s32 v1, v3;
	_ =	sdelay $0x3  }
0x186: {  	s20 =	simm.s32 $0x19980  }
0x187: {  	[tilespmem:s20], [sflag:$0x2] =	stream.indirect_vreg.gather [hbm4b:s1+s3], $0x80, v3, vm0, $0xb8;
	[tilespmem:$0x1B180] =	vst v63  }
0x188: {  	s20 =	simm.s32 $0x1A180  }
0x189: {  	[tilespmem:s20], [sflag:$0x2] =	stream.indirect_vreg.gather [hbm4b:s5+s3], $0x80, v3, vm0, $0xb8;
	[tilespmem:$0x1B180] =	vst v63  }
0x18a: {  	s20 =	simm.s32 $0x1A980  }
0x18b: {  	[tilespmem:s20], [sflag:$0x2] =	stream.indirect_vreg.gather [hbm4b:s6+s3], $0x80, v3, vm0, $0xb8;
	[tilespmem:$0x1B180] =	vst v63  }
0x18c: {  	_ =	swait.ge [sflag:s0], $0xD800  }
0x18d: {  	[sflag:s0] =	ssyncset.done $0x0  }
0x18e: {  	s7 =	simm.s32 $0x180;
	s20 =	rddreg [dreg:$0x6];
	[sflag:s0] =	ssyncadd.s32 $0xFFFF2800  }
0x18f: {  	[hbm4b:s20+s3] =	stream.linear.scatter [tilespmem:s7], [sflag:$0x3], $0xD800, $0x38;
	[tilespmem:$0x1B180] =	vst v63  }
0x190: {  	_ =	swait.ge [sflag:s8], $0xD800  }
0x191: {  	[sflag:s8] =	ssyncset.done $0x0  }
0x192: {  	s7 =	rddreg [dreg:$0x7];
	[sflag:s8] =	ssyncadd.s32 $0xFFFF2800  }
0x193: {  	[hbm4b:s7+s3] =	stream.linear.scatter [tilespmem:s4], [sflag:$0x4], $0xD800, $0x38;
	[tilespmem:$0x1B180] =	vst v63  }
0x194: {  	p0 =	sne.s32 s10, $0x1;
	_ =	swait.ge [sflag:s9], $0xD800  }
.Ltmp0:
0x195: {  	[sflag:s9] =	ssyncset.done $0x0;
	(pc) =	sbr.rel @p0 .LBB2_1-.Ltmp0, $4  }
0x196: {  	[sflag:s9] =	ssyncadd.s32 $0xFFFF2800  }
0x197: {  	_ =	swait.ge [sflag:s2], $0xD800  }
0x198: {  	[sflag:s2] =	ssyncset.done $0x0  }
0x199: {  	s10 =	sadd.s32 $0xFFFFFFFF, s10;
	[sflag:s2] =	ssyncadd.s32 $0xFFFF2800  }
0x19a: {  	_ =	sfence.sel $0x180000  }
0x19b: {  	[bflag:$0x0] =	sbarrier.arrive $0xFFFF  }
0x19c: {  	_ =	strace $0x90000047  }
0x19d: {  	s0 =	stileid.u32;
	[bflag:$0x2] =	sbarrier.arrive $0xFFFF  }
0x19e: {  	p0 =	sne.s32 s0, $0x0;
	s0 =	rddreg [dreg:$0x3]  }
0x19f: {  	s0 =	sadd.s32 @!p0 $0x100000, s0  }
0x1a0: {  	[sflag:s0] =	ssyncadd.tile.s32 @!p0 $0x1;
	_ =	shalt  }
.Lfunc_end2:
_tile_overlayer_lowered:
.L_overlay_start_2:
0x1a1: {  	(tag) =	ssettag $0x2  }
0x1a2: {  	s0 =	rddreg [dreg:$0x0];
	s2 =	stileid.u32  }
0x1a3: {  	s1 =	rddreg [dreg:$0x1];
	p0 =	sne.s32 s2, $0x0  }
0x1a4: {  	s3 =	rddreg [dreg:$0x2];
	[bflag:$0x3] =	sbarrier.arrive $0xFFFF;
	s2 =	simm.s32 @!p0 $0x1C05  }
0x1a5: {  	[timem:s3], [sflag:s2] =	dma.local @!p0 [hbm:s0], s1  }
0x1a6: {  	s0 =	simm.s32 @!p0 $0x5  }
0x1a7: {  	_ =	swait.ge @!p0 [sflag:s0], s1  }
0x1a8: {  	s1 =	ssub.s32 @!p0 $0x0, s1;
	[sflag:s0] =	ssyncset.done @!p0 $0x0  }
0x1a9: {  	[sflag:s0] =	ssyncadd.s32 @!p0 s1  }
0x1aa: {  	[bflag:$0x3] =	sbarrier.arrive $0xFFFF  }
0x1ab: {  	_ =	shalt  }

</sc_bundles>
